<compile_context>
chip_gen: v7x
topology: tpu7x:2x2x1
jax: 0.10.2.dev20260603
libtpu: 0.0.44.dev20260713+nightly
codegen_flags: <defaults>
</compile_context>

<pallas_src>
import functools
import jax
import jax.numpy as jnp
from jax import lax
from jax.experimental import pallas as pl
from jax.experimental.pallas import tpu as pltpu
from jax.experimental.pallas import tpu_sc as plsc

NN = 10000
EE = 320000
DD = 128
NC = 2
NS = 16
NW = NC * NS
NPAD = 10240
TPW = NPAD // NS
RPT = NN // NS

CH = 80
NCHROWS = EE // CH
CPW = NCHROWS // NW
CH1 = 125
CPT1 = EE // CH1 // NS


def _mesh():
    return plsc.VectorSubcoreMesh(core_axis_name="c", subcore_axis_name="s")


def _k1_body(src2d, dst2d, ones_hbm, z640_hbm, degs_hbm,
             deg_sp, idx2, ones_v, s0, s1, s2, s3):
    c = lax.axis_index("c")
    s = lax.axis_index("s")
    sems = [s0, s1, s2, s3]
    pltpu.sync_copy(z640_hbm, deg_sp.at[pl.ds(s * TPW, TPW)])
    pltpu.sync_copy(ones_hbm, ones_v)

    @pl.when(c == 0)
    def _():
        pltpu.sync_copy(src2d.at[pl.ds(s * CPT1, CPT1)], idx2)

    @pl.when(c == 1)
    def _():
        pltpu.sync_copy(dst2d.at[pl.ds(s * CPT1, CPT1)], idx2)

    plsc.subcore_barrier()

    def grp(g, carry):
        for b in range(4):
            j = g * 4 + b

            @pl.when(g >= 1)
            def _():
                pltpu.make_async_copy(
                    ones_v, deg_sp.at[idx2.at[j - 4]], sems[b]).wait()

            pltpu.async_copy(ones_v, deg_sp.at[idx2.at[j]], sems[b], add=True)
        return carry

    lax.fori_loop(0, CPT1 // 4, grp, 0)
    for b in range(4):
        j = CPT1 - 4 + b
        pltpu.make_async_copy(ones_v, deg_sp.at[idx2.at[j]], sems[b]).wait()

    plsc.subcore_barrier()
    pltpu.sync_copy(deg_sp.at[pl.ds(s * TPW, TPW)],
                    degs_hbm.at[c, pl.ds(s * TPW, TPW)])


_k1 = pl.kernel(
    _k1_body,
    out_type=jax.ShapeDtypeStruct((NC, NPAD), jnp.float32),
    mesh=_mesh(),
    scratch_types=[
        pltpu.VMEM_SHARED((NPAD,), jnp.float32),
        pltpu.VMEM((CPT1, CH1), jnp.int32),
        pltpu.VMEM((CH1,), jnp.float32),
        pltpu.SemaphoreType.DMA,
        pltpu.SemaphoreType.DMA,
        pltpu.SemaphoreType.DMA,
        pltpu.SemaphoreType.DMA,
    ],
)


def _k2_body(x_ref, win_ref, bin_ref, degs_ref, g1_ref, norms_ref):
    h = jnp.tanh(jnp.dot(x_ref[...], win_ref[...],
                         preferred_element_type=jnp.float32) + bin_ref[...])
    degs = degs_ref[...]
    nout = lax.rsqrt(jnp.maximum(degs[:, 0:1], 1.0))
    nin = lax.rsqrt(jnp.maximum(degs[:, 1:2], 1.0))
    g1_ref[...] = h * nout
    norms_ref[...] = jnp.concatenate([nin, nout], axis=1)


def _k2(x, w_in, b_in, degs):
    blk = 1000
    grid = NN // blk
    return pl.pallas_call(
        _k2_body,
        grid=(grid,),
        in_specs=[
            pl.BlockSpec((blk, DD), lambda i: (i, 0)),
            pl.BlockSpec((DD, DD), lambda i: (0, 0)),
            pl.BlockSpec((1, DD), lambda i: (0, 0)),
            pl.BlockSpec((blk, 2), lambda i: (i, 0)),
        ],
        out_specs=[
            pl.BlockSpec((blk, DD), lambda i: (i, 0)),
            pl.BlockSpec((blk, 2), lambda i: (i, 0)),
        ],
        out_shape=[
            jax.ShapeDtypeStruct((NN, DD), jnp.float32),
            jax.ShapeDtypeStruct((NN, 2), jnp.float32),
        ],
    )(x, w_in, b_in, degs)


def _k3_body(src_hbm, dst_hbm, g1_hbm, nin_hbm, zrows_hbm, z640_hbm,
             aggp_hbm, cp_hbm,
             agg_sp, c_sp,
             sb0, sb1, sb2, sb3, db0, db1, db2, db3,
             r0, r1, r2, r3, n0, n1, n2, n3,
             is0, is1, is2, is3, gs0, gs1, gs2, gs3,
             ss0, ss1, ss2, ss3):
    c = lax.axis_index("c")
    s = lax.axis_index("s")
    base = (c * NS + s) * CPW
    srcb = [sb0, sb1, sb2, sb3]
    dstb = [db0, db1, db2, db3]
    rows = [r0, r1, r2, r3]
    nrm = [n0, n1, n2, n3]
    isem = [is0, is1, is2, is3]
    gsem = [gs0, gs1, gs2, gs3]
    ssem = [ss0, ss1, ss2, ss3]

    pltpu.sync_copy(zrows_hbm, agg_sp.at[pl.ds(s * TPW, TPW)])
    pltpu.sync_copy(z640_hbm, c_sp.at[pl.ds(s * TPW, TPW)])
    plsc.subcore_barrier()

    def load_idx(j, t):
        off = (base + j) * CH
        pltpu.async_copy(src_hbm.at[pl.ds(off, CH)], srcb[t], isem[t])
        pltpu.async_copy(dst_hbm.at[pl.ds(off, CH)], dstb[t], isem[t])

    def wait_idx(j, t):
        off = (base + j) * CH
        pltpu.make_async_copy(
            src_hbm.at[pl.ds(off, CH)], srcb[t], isem[t]).wait()
        pltpu.make_async_copy(
            dst_hbm.at[pl.ds(off, CH)], dstb[t], isem[t]).wait()

    def issue_gather(t):
        pltpu.async_copy(g1_hbm.at[srcb[t]], rows[t], gsem[t])
        pltpu.async_copy(nin_hbm.at[dstb[t]], nrm[t], gsem[t])

    def wait_gather(t):
        pltpu.make_async_copy(g1_hbm.at[srcb[t]], rows[t], gsem[t]).wait()
        pltpu.make_async_copy(nin_hbm.at[dstb[t]], nrm[t], gsem[t]).wait()

    def issue_scatter(t):
        pltpu.async_copy(rows[t], agg_sp.at[dstb[t]], ssem[t], add=True)
        pltpu.async_copy(nrm[t], c_sp.at[srcb[t]], ssem[t], add=True)

    def wait_scatter(t):
        pltpu.make_async_copy(rows[t], agg_sp.at[dstb[t]], ssem[t]).wait()
        pltpu.make_async_copy(nrm[t], c_sp.at[srcb[t]], ssem[t]).wait()

    for t in range(3):
        load_idx(t, t)
    wait_idx(0, 0)
    issue_gather(0)
    wait_idx(1, 1)
    issue_gather(1)

    LAST = CPW - 1

    def grp(g, carry):
        for u in range(4):
            j = 4 * g + u
            wait_gather(u)
            issue_scatter(u)

            um = (u - 1) % 4

            @pl.when(j >= 1)
            def _():
                wait_scatter(um)

            un = (u + 2) % 4

            @pl.when(j + 2 <= LAST)
            def _():
                wait_idx(j + 2, un)
                issue_gather(un)

            u3 = (u + 3) % 4

            @pl.when(j + 3 <= LAST)
            def _():
                load_idx(j + 3, u3)
        return carry

    lax.fori_loop(0, CPW // 4, grp, 0)
    wait_gather(0)
    issue_scatter(0)
    wait_scatter(3)
    wait_scatter(0)

    plsc.subcore_barrier()
    pltpu.sync_copy(agg_sp.at[pl.ds(s * TPW, TPW)],
                    aggp_hbm.at[c, pl.ds(s * TPW, TPW)])
    pltpu.sync_copy(c_sp.at[pl.ds(s * TPW, TPW)],
                    cp_hbm.at[c, pl.ds(s * TPW, TPW)])


_k3 = pl.kernel(
    _k3_body,
    out_type=[
        jax.ShapeDtypeStruct((NC, NPAD, DD), jnp.float32),
        jax.ShapeDtypeStruct((NC, NPAD), jnp.float32),
    ],
    mesh=_mesh(),
    scratch_types=[
        pltpu.VMEM_SHARED((NPAD, DD), jnp.float32),
        pltpu.VMEM_SHARED((NPAD,), jnp.float32),
        pltpu.VMEM((CH,), jnp.int32),
        pltpu.VMEM((CH,), jnp.int32),
        pltpu.VMEM((CH,), jnp.int32),
        pltpu.VMEM((CH,), jnp.int32),
        pltpu.VMEM((CH,), jnp.int32),
        pltpu.VMEM((CH,), jnp.int32),
        pltpu.VMEM((CH,), jnp.int32),
        pltpu.VMEM((CH,), jnp.int32),
        pltpu.VMEM((CH, DD), jnp.float32),
        pltpu.VMEM((CH, DD), jnp.float32),
        pltpu.VMEM((CH, DD), jnp.float32),
        pltpu.VMEM((CH, DD), jnp.float32),
        pltpu.VMEM((CH,), jnp.float32),
        pltpu.VMEM((CH,), jnp.float32),
        pltpu.VMEM((CH,), jnp.float32),
        pltpu.VMEM((CH,), jnp.float32),
        pltpu.SemaphoreType.DMA,
        pltpu.SemaphoreType.DMA,
        pltpu.SemaphoreType.DMA,
        pltpu.SemaphoreType.DMA,
        pltpu.SemaphoreType.DMA,
        pltpu.SemaphoreType.DMA,
        pltpu.SemaphoreType.DMA,
        pltpu.SemaphoreType.DMA,
        pltpu.SemaphoreType.DMA,
        pltpu.SemaphoreType.DMA,
        pltpu.SemaphoreType.DMA,
        pltpu.SemaphoreType.DMA,
    ],
)


def _k4_body(aggp_ref, cw_ref, normsp_ref, w0_ref, b0_ref, w1_ref, b1_ref,
             out_ref, acc_ref):
    i = pl.program_id(0)

    @pl.when(i == 0)
    def _():
        acc_ref[...] = jnp.zeros_like(acc_ref)

    agg = aggp_ref[0] + aggp_ref[1]
    nin = normsp_ref[:, 0:1]
    nout = normsp_ref[:, 1:2]
    u = agg * nin
    z = jnp.maximum(jnp.dot(u, w0_ref[...],
                            preferred_element_type=jnp.float32) + b0_ref[...],
                    0.0)
    w = (cw_ref[:, 0:1] + cw_ref[:, 1:2]) * nout
    acc_ref[...] += jnp.sum(w * z, axis=0, keepdims=True)

    @pl.when(i == pl.num_programs(0) - 1)
    def _():
        out_ref[...] = (jnp.dot(acc_ref[...], w1_ref[...],
                                preferred_element_type=jnp.float32)
                        + float(NN) * b1_ref[...])


def _k4(aggp, cw, normsp, w0, b0, w1, b1):
    blk = 1024
    grid = NPAD // blk
    return pl.pallas_call(
        _k4_body,
        grid=(grid,),
        in_specs=[
            pl.BlockSpec((NC, blk, DD), lambda i: (0, i, 0)),
            pl.BlockSpec((blk, NC), lambda i: (i, 0)),
            pl.BlockSpec((blk, 2), lambda i: (i, 0)),
            pl.BlockSpec((DD, DD), lambda i: (0, 0)),
            pl.BlockSpec((1, DD), lambda i: (0, 0)),
            pl.BlockSpec((DD, DD), lambda i: (0, 0)),
            pl.BlockSpec((1, DD), lambda i: (0, 0)),
        ],
        out_specs=pl.BlockSpec((1, DD), lambda i: (0, 0)),
        out_shape=jax.ShapeDtypeStruct((1, DD), jnp.float32),
        scratch_shapes=[pltpu.VMEM((1, DD), jnp.float32)],
    )(aggp, cw, normsp, w0, b0, w1, b1)


@jax.jit
def kernel(x, edge_index, W_in, b_in, W0, b0, W1, b1):
    src = edge_index[0]
    dst = edge_index[1]
    src2d = src.reshape(EE // CH1, CH1)
    dst2d = dst.reshape(EE // CH1, CH1)
    ones125 = jnp.ones((CH1,), jnp.float32)
    z640 = jnp.zeros((TPW,), jnp.float32)
    zrows = jnp.zeros((TPW, DD), jnp.float32)

    degs2 = _k1(src2d, dst2d, ones125, z640)
    degs = jnp.transpose(degs2[:, :NN])
    g1, norms = _k2(x, W_in, b_in.reshape(1, DD), degs)
    nin1d = norms[:, 0]
    aggp, cp = _k3(src, dst, g1, nin1d, zrows, z640)
    cw = jnp.transpose(cp)
    normsp = jnp.concatenate(
        [norms, jnp.zeros((NPAD - NN, 2), jnp.float32)], axis=0)
    return _k4(aggp, cw, normsp, W0, b0.reshape(1, DD),
               W1, b1.reshape(1, DD))

# --- scband reference (transcript-rebuilt; emitter-appended) ---
"""Pipeline reference for scband-sequential-mix-72258529788095 (READ-ONLY COPY).

The authoritative reference and input builder live on the scoring server;
editing this copy changes nothing except your own understanding.
"""

import jax, jax.numpy as jnp
import numpy as np

N = 10000
E = 320000
F_IN = 128
D = 128


def setup_inputs(seed: int = 0) -> dict:
    key = jax.random.key(seed)
    ks = jax.random.split(key, 8)
    x = jax.random.normal(ks[0], (N, F_IN), dtype=jnp.float32)
    edge_index = jax.random.randint(ks[1], (2, E), 0, N, dtype=jnp.int32)
    W_in = jax.random.normal(ks[2], (F_IN, D), dtype=jnp.float32) * (1.0 / np.sqrt(F_IN))
    b_in = jnp.zeros((D,), dtype=jnp.float32)
    W0 = jax.random.normal(ks[3], (D, D), dtype=jnp.float32) * (1.0 / np.sqrt(D))
    b0 = jnp.zeros((D,), dtype=jnp.float32)
    W1 = jax.random.normal(ks[4], (D, D), dtype=jnp.float32) * (1.0 / np.sqrt(D))
    b1 = jnp.zeros((D,), dtype=jnp.float32)
    return {"x": x, "edge_index": edge_index, "W_in": W_in, "b_in": b_in,
            "W0": W0, "b0": b0, "W1": W1, "b1": b1}


def _graph_conv(h, src, dst, W, b, n_nodes):
    # DGL GraphConv with norm='both': symmetric degree normalization,
    # message = src feature, reduce = sum over in-edges, then linear + bias.
    ones = jnp.ones_like(src, dtype=h.dtype)
    out_deg = jax.ops.segment_sum(ones, src, num_segments=n_nodes)
    in_deg = jax.ops.segment_sum(ones, dst, num_segments=n_nodes)
    norm_out = jax.lax.rsqrt(jnp.clip(out_deg, 1.0, None))
    norm_in = jax.lax.rsqrt(jnp.clip(in_deg, 1.0, None))
    h = h * norm_out[:, None]
    msgs = jnp.take(h, src, axis=0)
    agg = jax.ops.segment_sum(msgs, dst, num_segments=n_nodes)
    agg = agg * norm_in[:, None]
    return agg @ W + b


def reference(x, edge_index, W_in, b_in, W0, b0, W1, b1):
    src = edge_index[0]
    dst = edge_index[1]
    # f_in: Linear(feature_units -> input_units) + Tanh
    h = jnp.tanh(x @ W_in + b_in)
    # conv0: GraphConv(128 -> 128)
    h = _graph_conv(h, src, dst, W0, b0, N)
    # act: torch.relu
    h = jax.nn.relu(h)
    # conv2: GraphConv(128 -> 128)
    h = _graph_conv(h, src, dst, W1, b1, N)
    # default pool = dgl.sum_nodes(g, 'h'): per-graph node sum (single graph -> [1, D])
    return jnp.sum(h, axis=0, keepdims=True)

if __name__ == "__main__":
    import jax
    _d = setup_inputs()
    print(jax.jit(kernel)(*tuple(_d.values())))

</pallas_src>

<mosaic_0001>
#map = affine_map<(d0, d1) -> (0, 0)>
#map1 = affine_map<(d0, d1) -> (0)>
module attributes {stable_mosaic.version = 14 : i64} {
  func.func @_k1_body(%arg0: i32, %arg1: i32, %arg2: memref<2560x125xi32, #tpu.memory_space<hbm>>, %arg3: memref<2560x125xi32, #tpu.memory_space<hbm>>, %arg4: memref<125xf32, #tpu.memory_space<hbm>>, %arg5: memref<640xf32, #tpu.memory_space<hbm>>, %arg6: memref<2x10240xf32, #tpu.memory_space<hbm>>, %arg7: memref<10240xf32, #tpu.memory_space<vmem_shared>>, %arg8: memref<160x125xi32, #tpu.memory_space<vmem>>, %arg9: memref<125xf32, #tpu.memory_space<vmem>>, %arg10: memref<!tpu.dma_semaphore, #tpu.memory_space<semaphore_mem>>, %arg11: memref<!tpu.dma_semaphore, #tpu.memory_space<semaphore_mem>>, %arg12: memref<!tpu.dma_semaphore, #tpu.memory_space<semaphore_mem>>, %arg13: memref<!tpu.dma_semaphore, #tpu.memory_space<semaphore_mem>>) attributes {dimension_semantics = [#tpu.dimension_semantics<core_parallel>, #tpu.dimension_semantics<subcore_parallel>], iteration_bounds = array<i64: 2, 16>, scalar_prefetch = 0 : i64, scratch_operands = 7 : i64, tpu.core_type = #tpu.core_type<sc_vector_subcore>, window_params = [{transform_indices = #map}, {transform_indices = #map}, {transform_indices = #map1}, {transform_indices = #map1}, {transform_indices = #map}]} {
    %mul3A = arith.constant 640 : i32
    %mul3A_0 = arith.muli %arg1, %mul3A : i32
    "tpu.region"() ({
      %run_scoped3A = tpu.sem_alloc : memref<!tpu.dma_semaphore, #tpu.memory_space<semaphore_mem>>
      %dma_start3A = tpu.memref_slice %arg7[%mul3A_0] : memref<10240xf32, #tpu.memory_space<vmem_shared>> -> memref<640xf32, #tpu.memory_space<vmem_shared>>
      tpu.enqueue_dma source(%arg5 : memref<640xf32, #tpu.memory_space<hbm>>) target(%dma_start3A : memref<640xf32, #tpu.memory_space<vmem_shared>>) target_semaphore(%run_scoped3A : memref<!tpu.dma_semaphore, #tpu.memory_space<semaphore_mem>>)
      %dma_wait3A_41 = tpu.memref_slice %arg7[%mul3A_0] : memref<10240xf32, #tpu.memory_space<vmem_shared>> -> memref<640xf32, #tpu.memory_space<vmem_shared>>
      tpu.wait_dma2 semaphore(%run_scoped3A : memref<!tpu.dma_semaphore, #tpu.memory_space<semaphore_mem>>) src(%arg5 : memref<640xf32, #tpu.memory_space<hbm>>) dst(%dma_wait3A_41 : memref<640xf32, #tpu.memory_space<vmem_shared>>)
      tpu.yield
    }) : () -> ()
    "tpu.region"() ({
      %run_scoped3A = tpu.sem_alloc : memref<!tpu.dma_semaphore, #tpu.memory_space<semaphore_mem>>
      tpu.enqueue_dma source(%arg4 : memref<125xf32, #tpu.memory_space<hbm>>) target(%arg9 : memref<125xf32, #tpu.memory_space<vmem>>) target_semaphore(%run_scoped3A : memref<!tpu.dma_semaphore, #tpu.memory_space<semaphore_mem>>)
      tpu.wait_dma2 semaphore(%run_scoped3A : memref<!tpu.dma_semaphore, #tpu.memory_space<semaphore_mem>>) src(%arg4 : memref<125xf32, #tpu.memory_space<hbm>>) dst(%arg9 : memref<125xf32, #tpu.memory_space<vmem>>)
      tpu.yield
    }) : () -> ()
    %eq3A = arith.constant 0 : i32
    %eq3A_1 = arith.cmpi eq, %arg0, %eq3A : i32
    %convert_element_type3A = arith.extui %eq3A_1 : i1 to i32
    %cond3A = arith.constant 0 : i32
    %cond3A_2 = arith.cmpi ne, %convert_element_type3A, %cond3A : i32
    scf.if %cond3A_2 {
      %mul3A_41 = arith.constant 160 : i32
      %mul3A_42 = arith.muli %arg1, %mul3A_41 : i32
      "tpu.region"() ({
        %run_scoped3A = tpu.sem_alloc : memref<!tpu.dma_semaphore, #tpu.memory_space<semaphore_mem>>
        %dma_start3A = arith.constant 0 : i32
        %dma_start3A_43 = tpu.memref_slice %arg2[%mul3A_42, %dma_start3A] : memref<2560x125xi32, #tpu.memory_space<hbm>> -> memref<160x125xi32, #tpu.memory_space<hbm>>
        %dma_start3A_44 = arith.constant 0 : i32
        %dma_start3A_45 = tpu.memref_slice %arg2[%mul3A_42, %dma_start3A_44] : memref<2560x125xi32, #tpu.memory_space<hbm>> -> memref<160x125xi32, #tpu.memory_space<hbm>>
        tpu.enqueue_dma source(%dma_start3A_45 : memref<160x125xi32, #tpu.memory_space<hbm>>) target(%arg8 : memref<160x125xi32, #tpu.memory_space<vmem>>) target_semaphore(%run_scoped3A : memref<!tpu.dma_semaphore, #tpu.memory_space<semaphore_mem>>)
        %dma_wait3A_46 = arith.constant 0 : i32
        %dma_wait3A_47 = tpu.memref_slice %arg2[%mul3A_42, %dma_wait3A_46] : memref<2560x125xi32, #tpu.memory_space<hbm>> -> memref<160x125xi32, #tpu.memory_space<hbm>>
        %dma_wait3A_48 = arith.constant 0 : i32
        %dma_wait3A_49 = tpu.memref_slice %arg2[%mul3A_42, %dma_wait3A_48] : memref<2560x125xi32, #tpu.memory_space<hbm>> -> memref<160x125xi32, #tpu.memory_space<hbm>>
        tpu.wait_dma2 semaphore(%run_scoped3A : memref<!tpu.dma_semaphore, #tpu.memory_space<semaphore_mem>>) src(%dma_wait3A_49 : memref<160x125xi32, #tpu.memory_space<hbm>>) dst(%arg8 : memref<160x125xi32, #tpu.memory_space<vmem>>)
        tpu.yield
      }) : () -> ()
    } else {
    }
    %eq3A_3 = arith.constant 1 : i32
    %eq3A_4 = arith.cmpi eq, %arg0, %eq3A_3 : i32
    %convert_element_type3A_5 = arith.extui %eq3A_4 : i1 to i32
    %cond3A_6 = arith.constant 0 : i32
    %cond3A_7 = arith.cmpi ne, %convert_element_type3A_5, %cond3A_6 : i32
    scf.if %cond3A_7 {
      %mul3A_41 = arith.constant 160 : i32
      %mul3A_42 = arith.muli %arg1, %mul3A_41 : i32
      "tpu.region"() ({
        %run_scoped3A = tpu.sem_alloc : memref<!tpu.dma_semaphore, #tpu.memory_space<semaphore_mem>>
        %dma_start3A = arith.constant 0 : i32
        %dma_start3A_43 = tpu.memref_slice %arg3[%mul3A_42, %dma_start3A] : memref<2560x125xi32, #tpu.memory_space<hbm>> -> memref<160x125xi32, #tpu.memory_space<hbm>>
        %dma_start3A_44 = arith.constant 0 : i32
        %dma_start3A_45 = tpu.memref_slice %arg3[%mul3A_42, %dma_start3A_44] : memref<2560x125xi32, #tpu.memory_space<hbm>> -> memref<160x125xi32, #tpu.memory_space<hbm>>
        tpu.enqueue_dma source(%dma_start3A_45 : memref<160x125xi32, #tpu.memory_space<hbm>>) target(%arg8 : memref<160x125xi32, #tpu.memory_space<vmem>>) target_semaphore(%run_scoped3A : memref<!tpu.dma_semaphore, #tpu.memory_space<semaphore_mem>>)
        %dma_wait3A_46 = arith.constant 0 : i32
        %dma_wait3A_47 = tpu.memref_slice %arg3[%mul3A_42, %dma_wait3A_46] : memref<2560x125xi32, #tpu.memory_space<hbm>> -> memref<160x125xi32, #tpu.memory_space<hbm>>
        %dma_wait3A_48 = arith.constant 0 : i32
        %dma_wait3A_49 = tpu.memref_slice %arg3[%mul3A_42, %dma_wait3A_48] : memref<2560x125xi32, #tpu.memory_space<hbm>> -> memref<160x125xi32, #tpu.memory_space<hbm>>
        tpu.wait_dma2 semaphore(%run_scoped3A : memref<!tpu.dma_semaphore, #tpu.memory_space<semaphore_mem>>) src(%dma_wait3A_49 : memref<160x125xi32, #tpu.memory_space<hbm>>) dst(%arg8 : memref<160x125xi32, #tpu.memory_space<vmem>>)
        tpu.yield
      }) : () -> ()
    } else {
    }
    %barrier3A = arith.constant 0 : index
    tpu.barrier barrier_id(%barrier3A)
    %scan3A = arith.constant 0 : i32
    %scan3A_8 = arith.constant 0 : i32
    %scan3A_9 = arith.constant 40 : i32
    %scan3A_10 = arith.addi %scan3A_8, %scan3A_9 : i32
    %scan3A_11 = arith.constant 1 : i32
    scf.for %scan3A_41 = %scan3A_8 to %scan3A_10 step %scan3A_11  : i32 {
      %mul3A_42 = arith.constant 4 : i32
      %mul3A_43 = arith.muli %scan3A_41, %mul3A_42 : i32
      %add3A = arith.constant 0 : i32
      %add3A_44 = arith.addi %mul3A_43, %add3A : i32
      %ge3A = arith.constant 1 : i32
      %ge3A_45 = arith.cmpi sge, %scan3A_41, %ge3A : i32
      %convert_element_type3A_46 = arith.extui %ge3A_45 : i1 to i32
      %cond3A_47 = arith.constant 0 : i32
      %cond3A_48 = arith.cmpi ne, %convert_element_type3A_46, %cond3A_47 : i32
      scf.if %cond3A_48 {
        %sub3A = arith.constant 4 : i32
        %sub3A_95 = arith.subi %add3A_44, %sub3A : i32
        %dma_wait3A_96 = arith.constant 0 : i32
        %dma_wait3A_97 = tpu.memref_slice %arg8[%sub3A_95, %dma_wait3A_96] : memref<160x125xi32, #tpu.memory_space<vmem>> -> memref<1x125xi32, #tpu.memory_space<vmem>>
        %dma_wait3A_98 = tpu.memref_squeeze %dma_wait3A_97 : memref<1x125xi32, #tpu.memory_space<vmem>> -> memref<125xi32, #tpu.memory_space<vmem>>
        %dma_wait3A_99 = arith.constant 0 : i32
        %dma_wait3A_100 = tpu.memref_slice %arg7[%dma_wait3A_99] : memref<10240xf32, #tpu.memory_space<vmem_shared>> -> memref<10240xf32, #tpu.memory_space<vmem_shared>>
        tpu.wait_indirect_dma semaphore(%arg10 : memref<!tpu.dma_semaphore, #tpu.memory_space<semaphore_mem>>) src(%arg9 : memref<125xf32, #tpu.memory_space<vmem>>) dst(%dma_wait3A_100 : memref<10240xf32, #tpu.memory_space<vmem_shared>>)
      } else {
      }
      %dma_start3A = arith.constant 0 : i32
      %dma_start3A_49 = tpu.memref_slice %arg8[%add3A_44, %dma_start3A] : memref<160x125xi32, #tpu.memory_space<vmem>> -> memref<1x125xi32, #tpu.memory_space<vmem>>
      %dma_start3A_50 = tpu.memref_squeeze %dma_start3A_49 : memref<1x125xi32, #tpu.memory_space<vmem>> -> memref<125xi32, #tpu.memory_space<vmem>>
      %dma_start3A_51 = arith.constant 0 : i32
      %dma_start3A_52 = tpu.memref_slice %arg7[%dma_start3A_51] : memref<10240xf32, #tpu.memory_space<vmem_shared>> -> memref<10240xf32, #tpu.memory_space<vmem_shared>>
      tpu.enqueue_indirect_dma source(%arg9 : memref<125xf32, #tpu.memory_space<vmem>>) target(%dma_start3A_52 : memref<10240xf32, #tpu.memory_space<vmem_shared>>) offsets(%dma_start3A_50 : memref<125xi32, #tpu.memory_space<vmem>>) semaphore(%arg10 : memref<!tpu.dma_semaphore, #tpu.memory_space<semaphore_mem>>) {add = true}
      %mul3A_53 = arith.constant 4 : i32
      %mul3A_54 = arith.muli %scan3A_41, %mul3A_53 : i32
      %add3A_55 = arith.constant 1 : i32
      %add3A_56 = arith.addi %mul3A_54, %add3A_55 : i32
      %ge3A_57 = arith.constant 1 : i32
      %ge3A_58 = arith.cmpi sge, %scan3A_41, %ge3A_57 : i32
      %convert_element_type3A_59 = arith.extui %ge3A_58 : i1 to i32
      %cond3A_60 = arith.constant 0 : i32
      %cond3A_61 = arith.cmpi ne, %convert_element_type3A_59, %cond3A_60 : i32
      scf.if %cond3A_61 {
        %sub3A = arith.constant 4 : i32
        %sub3A_95 = arith.subi %add3A_56, %sub3A : i32
        %dma_wait3A_96 = arith.constant 0 : i32
        %dma_wait3A_97 = tpu.memref_slice %arg8[%sub3A_95, %dma_wait3A_96] : memref<160x125xi32, #tpu.memory_space<vmem>> -> memref<1x125xi32, #tpu.memory_space<vmem>>
        %dma_wait3A_98 = tpu.memref_squeeze %dma_wait3A_97 : memref<1x125xi32, #tpu.memory_space<vmem>> -> memref<125xi32, #tpu.memory_space<vmem>>
        %dma_wait3A_99 = arith.constant 0 : i32
        %dma_wait3A_100 = tpu.memref_slice %arg7[%dma_wait3A_99] : memref<10240xf32, #tpu.memory_space<vmem_shared>> -> memref<10240xf32, #tpu.memory_space<vmem_shared>>
        tpu.wait_indirect_dma semaphore(%arg11 : memref<!tpu.dma_semaphore, #tpu.memory_space<semaphore_mem>>) src(%arg9 : memref<125xf32, #tpu.memory_space<vmem>>) dst(%dma_wait3A_100 : memref<10240xf32, #tpu.memory_space<vmem_shared>>)
      } else {
      }
      %dma_start3A_62 = arith.constant 0 : i32
      %dma_start3A_63 = tpu.memref_slice %arg8[%add3A_56, %dma_start3A_62] : memref<160x125xi32, #tpu.memory_space<vmem>> -> memref<1x125xi32, #tpu.memory_space<vmem>>
      %dma_start3A_64 = tpu.memref_squeeze %dma_start3A_63 : memref<1x125xi32, #tpu.memory_space<vmem>> -> memref<125xi32, #tpu.memory_space<vmem>>
      %dma_start3A_65 = arith.constant 0 : i32
      %dma_start3A_66 = tpu.memref_slice %arg7[%dma_start3A_65] : memref<10240xf32, #tpu.memory_space<vmem_shared>> -> memref<10240xf32, #tpu.memory_space<vmem_shared>>
      tpu.enqueue_indirect_dma source(%arg9 : memref<125xf32, #tpu.memory_space<vmem>>) target(%dma_start3A_66 : memref<10240xf32, #tpu.memory_space<vmem_shared>>) offsets(%dma_start3A_64 : memref<125xi32, #tpu.memory_space<vmem>>) semaphore(%arg11 : memref<!tpu.dma_semaphore, #tpu.memory_space<semaphore_mem>>) {add = true}
      %mul3A_67 = arith.constant 4 : i32
      %mul3A_68 = arith.muli %scan3A_41, %mul3A_67 : i32
      %add3A_69 = arith.constant 2 : i32
      %add3A_70 = arith.addi %mul3A_68, %add3A_69 : i32
      %ge3A_71 = arith.constant 1 : i32
      %ge3A_72 = arith.cmpi sge, %scan3A_41, %ge3A_71 : i32
      %convert_element_type3A_73 = arith.extui %ge3A_72 : i1 to i32
      %cond3A_74 = arith.constant 0 : i32
      %cond3A_75 = arith.cmpi ne, %convert_element_type3A_73, %cond3A_74 : i32
      scf.if %cond3A_75 {
        %sub3A = arith.constant 4 : i32
        %sub3A_95 = arith.subi %add3A_70, %sub3A : i32
        %dma_wait3A_96 = arith.constant 0 : i32
        %dma_wait3A_97 = tpu.memref_slice %arg8[%sub3A_95, %dma_wait3A_96] : memref<160x125xi32, #tpu.memory_space<vmem>> -> memref<1x125xi32, #tpu.memory_space<vmem>>
        %dma_wait3A_98 = tpu.memref_squeeze %dma_wait3A_97 : memref<1x125xi32, #tpu.memory_space<vmem>> -> memref<125xi32, #tpu.memory_space<vmem>>
        %dma_wait3A_99 = arith.constant 0 : i32
        %dma_wait3A_100 = tpu.memref_slice %arg7[%dma_wait3A_99] : memref<10240xf32, #tpu.memory_space<vmem_shared>> -> memref<10240xf32, #tpu.memory_space<vmem_shared>>
        tpu.wait_indirect_dma semaphore(%arg12 : memref<!tpu.dma_semaphore, #tpu.memory_space<semaphore_mem>>) src(%arg9 : memref<125xf32, #tpu.memory_space<vmem>>) dst(%dma_wait3A_100 : memref<10240xf32, #tpu.memory_space<vmem_shared>>)
      } else {
      }
      %dma_start3A_76 = arith.constant 0 : i32
      %dma_start3A_77 = tpu.memref_slice %arg8[%add3A_70, %dma_start3A_76] : memref<160x125xi32, #tpu.memory_space<vmem>> -> memref<1x125xi32, #tpu.memory_space<vmem>>
      %dma_start3A_78 = tpu.memref_squeeze %dma_start3A_77 : memref<1x125xi32, #tpu.memory_space<vmem>> -> memref<125xi32, #tpu.memory_space<vmem>>
      %dma_start3A_79 = arith.constant 0 : i32
      %dma_start3A_80 = tpu.memref_slice %arg7[%dma_start3A_79] : memref<10240xf32, #tpu.memory_space<vmem_shared>> -> memref<10240xf32, #tpu.memory_space<vmem_shared>>
      tpu.enqueue_indirect_dma source(%arg9 : memref<125xf32, #tpu.memory_space<vmem>>) target(%dma_start3A_80 : memref<10240xf32, #tpu.memory_space<vmem_shared>>) offsets(%dma_start3A_78 : memref<125xi32, #tpu.memory_space<vmem>>) semaphore(%arg12 : memref<!tpu.dma_semaphore, #tpu.memory_space<semaphore_mem>>) {add = true}
      %mul3A_81 = arith.constant 4 : i32
      %mul3A_82 = arith.muli %scan3A_41, %mul3A_81 : i32
      %add3A_83 = arith.constant 3 : i32
      %add3A_84 = arith.addi %mul3A_82, %add3A_83 : i32
      %ge3A_85 = arith.constant 1 : i32
      %ge3A_86 = arith.cmpi sge, %scan3A_41, %ge3A_85 : i32
      %convert_element_type3A_87 = arith.extui %ge3A_86 : i1 to i32
      %cond3A_88 = arith.constant 0 : i32
      %cond3A_89 = arith.cmpi ne, %convert_element_type3A_87, %cond3A_88 : i32
      scf.if %cond3A_89 {
        %sub3A = arith.constant 4 : i32
        %sub3A_95 = arith.subi %add3A_84, %sub3A : i32
        %dma_wait3A_96 = arith.constant 0 : i32
        %dma_wait3A_97 = tpu.memref_slice %arg8[%sub3A_95, %dma_wait3A_96] : memref<160x125xi32, #tpu.memory_space<vmem>> -> memref<1x125xi32, #tpu.memory_space<vmem>>
        %dma_wait3A_98 = tpu.memref_squeeze %dma_wait3A_97 : memref<1x125xi32, #tpu.memory_space<vmem>> -> memref<125xi32, #tpu.memory_space<vmem>>
        %dma_wait3A_99 = arith.constant 0 : i32
        %dma_wait3A_100 = tpu.memref_slice %arg7[%dma_wait3A_99] : memref<10240xf32, #tpu.memory_space<vmem_shared>> -> memref<10240xf32, #tpu.memory_space<vmem_shared>>
        tpu.wait_indirect_dma semaphore(%arg13 : memref<!tpu.dma_semaphore, #tpu.memory_space<semaphore_mem>>) src(%arg9 : memref<125xf32, #tpu.memory_space<vmem>>) dst(%dma_wait3A_100 : memref<10240xf32, #tpu.memory_space<vmem_shared>>)
      } else {
      }
      %dma_start3A_90 = arith.constant 0 : i32
      %dma_start3A_91 = tpu.memref_slice %arg8[%add3A_84, %dma_start3A_90] : memref<160x125xi32, #tpu.memory_space<vmem>> -> memref<1x125xi32, #tpu.memory_space<vmem>>
      %dma_start3A_92 = tpu.memref_squeeze %dma_start3A_91 : memref<1x125xi32, #tpu.memory_space<vmem>> -> memref<125xi32, #tpu.memory_space<vmem>>
      %dma_start3A_93 = arith.constant 0 : i32
      %dma_start3A_94 = tpu.memref_slice %arg7[%dma_start3A_93] : memref<10240xf32, #tpu.memory_space<vmem_shared>> -> memref<10240xf32, #tpu.memory_space<vmem_shared>>
      tpu.enqueue_indirect_dma source(%arg9 : memref<125xf32, #tpu.memory_space<vmem>>) target(%dma_start3A_94 : memref<10240xf32, #tpu.memory_space<vmem_shared>>) offsets(%dma_start3A_92 : memref<125xi32, #tpu.memory_space<vmem>>) semaphore(%arg13 : memref<!tpu.dma_semaphore, #tpu.memory_space<semaphore_mem>>) {add = true}
    }
    %scan3A_12 = arith.constant 40 : i32
    %dma_wait3A = arith.constant 156 : i32
    %dma_wait3A_13 = arith.constant 0 : i32
    %dma_wait3A_14 = tpu.memref_slice %arg8[%dma_wait3A, %dma_wait3A_13] : memref<160x125xi32, #tpu.memory_space<vmem>> -> memref<1x125xi32, #tpu.memory_space<vmem>>
    %dma_wait3A_15 = tpu.memref_squeeze %dma_wait3A_14 : memref<1x125xi32, #tpu.memory_space<vmem>> -> memref<125xi32, #tpu.memory_space<vmem>>
    %dma_wait3A_16 = arith.constant 0 : i32
    %dma_wait3A_17 = tpu.memref_slice %arg7[%dma_wait3A_16] : memref<10240xf32, #tpu.memory_space<vmem_shared>> -> memref<10240xf32, #tpu.memory_space<vmem_shared>>
    tpu.wait_indirect_dma semaphore(%arg10 : memref<!tpu.dma_semaphore, #tpu.memory_space<semaphore_mem>>) src(%arg9 : memref<125xf32, #tpu.memory_space<vmem>>) dst(%dma_wait3A_17 : memref<10240xf32, #tpu.memory_space<vmem_shared>>)
    %dma_wait3A_18 = arith.constant 157 : i32
    %dma_wait3A_19 = arith.constant 0 : i32
    %dma_wait3A_20 = tpu.memref_slice %arg8[%dma_wait3A_18, %dma_wait3A_19] : memref<160x125xi32, #tpu.memory_space<vmem>> -> memref<1x125xi32, #tpu.memory_space<vmem>>
    %dma_wait3A_21 = tpu.memref_squeeze %dma_wait3A_20 : memref<1x125xi32, #tpu.memory_space<vmem>> -> memref<125xi32, #tpu.memory_space<vmem>>
    %dma_wait3A_22 = arith.constant 0 : i32
    %dma_wait3A_23 = tpu.memref_slice %arg7[%dma_wait3A_22] : memref<10240xf32, #tpu.memory_space<vmem_shared>> -> memref<10240xf32, #tpu.memory_space<vmem_shared>>
    tpu.wait_indirect_dma semaphore(%arg11 : memref<!tpu.dma_semaphore, #tpu.memory_space<semaphore_mem>>) src(%arg9 : memref<125xf32, #tpu.memory_space<vmem>>) dst(%dma_wait3A_23 : memref<10240xf32, #tpu.memory_space<vmem_shared>>)
    %dma_wait3A_24 = arith.constant 158 : i32
    %dma_wait3A_25 = arith.constant 0 : i32
    %dma_wait3A_26 = tpu.memref_slice %arg8[%dma_wait3A_24, %dma_wait3A_25] : memref<160x125xi32, #tpu.memory_space<vmem>> -> memref<1x125xi32, #tpu.memory_space<vmem>>
    %dma_wait3A_27 = tpu.memref_squeeze %dma_wait3A_26 : memref<1x125xi32, #tpu.memory_space<vmem>> -> memref<125xi32, #tpu.memory_space<vmem>>
    %dma_wait3A_28 = arith.constant 0 : i32
    %dma_wait3A_29 = tpu.memref_slice %arg7[%dma_wait3A_28] : memref<10240xf32, #tpu.memory_space<vmem_shared>> -> memref<10240xf32, #tpu.memory_space<vmem_shared>>
    tpu.wait_indirect_dma semaphore(%arg12 : memref<!tpu.dma_semaphore, #tpu.memory_space<semaphore_mem>>) src(%arg9 : memref<125xf32, #tpu.memory_space<vmem>>) dst(%dma_wait3A_29 : memref<10240xf32, #tpu.memory_space<vmem_shared>>)
    %dma_wait3A_30 = arith.constant 159 : i32
    %dma_wait3A_31 = arith.constant 0 : i32
    %dma_wait3A_32 = tpu.memref_slice %arg8[%dma_wait3A_30, %dma_wait3A_31] : memref<160x125xi32, #tpu.memory_space<vmem>> -> memref<1x125xi32, #tpu.memory_space<vmem>>
    %dma_wait3A_33 = tpu.memref_squeeze %dma_wait3A_32 : memref<1x125xi32, #tpu.memory_space<vmem>> -> memref<125xi32, #tpu.memory_space<vmem>>
    %dma_wait3A_34 = arith.constant 0 : i32
    %dma_wait3A_35 = tpu.memref_slice %arg7[%dma_wait3A_34] : memref<10240xf32, #tpu.memory_space<vmem_shared>> -> memref<10240xf32, #tpu.memory_space<vmem_shared>>
    tpu.wait_indirect_dma semaphore(%arg13 : memref<!tpu.dma_semaphore, #tpu.memory_space<semaphore_mem>>) src(%arg9 : memref<125xf32, #tpu.memory_space<vmem>>) dst(%dma_wait3A_35 : memref<10240xf32, #tpu.memory_space<vmem_shared>>)
    %barrier3A_36 = arith.constant 0 : index
    tpu.barrier barrier_id(%barrier3A_36)
    %mul3A_37 = arith.constant 640 : i32
    %mul3A_38 = arith.muli %arg1, %mul3A_37 : i32
    %mul3A_39 = arith.constant 640 : i32
    %mul3A_40 = arith.muli %arg1, %mul3A_39 : i32
    "tpu.region"() ({
      %run_scoped3A = tpu.sem_alloc : memref<!tpu.dma_semaphore, #tpu.memory_space<semaphore_mem>>
      %dma_start3A = tpu.memref_slice %arg6[%arg0, %mul3A_40] : memref<2x10240xf32, #tpu.memory_space<hbm>> -> memref<1x640xf32, #tpu.memory_space<hbm>>
      %dma_start3A_41 = tpu.memref_squeeze %dma_start3A : memref<1x640xf32, #tpu.memory_space<hbm>> -> memref<640xf32, #tpu.memory_space<hbm>>
      %dma_start3A_42 = tpu.memref_slice %arg7[%mul3A_38] : memref<10240xf32, #tpu.memory_space<vmem_shared>> -> memref<640xf32, #tpu.memory_space<vmem_shared>>
      tpu.enqueue_dma source(%dma_start3A_42 : memref<640xf32, #tpu.memory_space<vmem_shared>>) target(%dma_start3A_41 : memref<640xf32, #tpu.memory_space<hbm>>) target_semaphore(%run_scoped3A : memref<!tpu.dma_semaphore, #tpu.memory_space<semaphore_mem>>)
      %dma_wait3A_43 = tpu.memref_slice %arg6[%arg0, %mul3A_40] : memref<2x10240xf32, #tpu.memory_space<hbm>> -> memref<1x640xf32, #tpu.memory_space<hbm>>
      %dma_wait3A_44 = tpu.memref_squeeze %dma_wait3A_43 : memref<1x640xf32, #tpu.memory_space<hbm>> -> memref<640xf32, #tpu.memory_space<hbm>>
      %dma_wait3A_45 = tpu.memref_slice %arg7[%mul3A_38] : memref<10240xf32, #tpu.memory_space<vmem_shared>> -> memref<640xf32, #tpu.memory_space<vmem_shared>>
      tpu.wait_dma2 semaphore(%run_scoped3A : memref<!tpu.dma_semaphore, #tpu.memory_space<semaphore_mem>>) src(%dma_wait3A_45 : memref<640xf32, #tpu.memory_space<vmem_shared>>) dst(%dma_wait3A_44 : memref<640xf32, #tpu.memory_space<hbm>>)
      tpu.yield
    }) : () -> ()
    return
  }
}

#map = affine_map<(d0, d1) -> (0)>
#map1 = affine_map<(d0, d1) -> (0, 0)>
#map2 = affine_map<(d0, d1) -> (0, 0, 0)>
module attributes {stable_mosaic.version = 14 : i64} {
  func.func @_k3_body(%arg0: i32, %arg1: i32, %arg2: memref<320000xi32, #tpu.memory_space<hbm>>, %arg3: memref<320000xi32, #tpu.memory_space<hbm>>, %arg4: memref<10000x128xf32, #tpu.memory_space<hbm>>, %arg5: memref<10000xf32, #tpu.memory_space<hbm>>, %arg6: memref<640x128xf32, #tpu.memory_space<hbm>>, %arg7: memref<640xf32, #tpu.memory_space<hbm>>, %arg8: memref<2x10240x128xf32, #tpu.memory_space<hbm>>, %arg9: memref<2x10240xf32, #tpu.memory_space<hbm>>, %arg10: memref<10240x128xf32, #tpu.memory_space<vmem_shared>>, %arg11: memref<10240xf32, #tpu.memory_space<vmem_shared>>, %arg12: memref<80xi32, #tpu.memory_space<vmem>>, %arg13: memref<80xi32, #tpu.memory_space<vmem>>, %arg14: memref<80xi32, #tpu.memory_space<vmem>>, %arg15: memref<80xi32, #tpu.memory_space<vmem>>, %arg16: memref<80xi32, #tpu.memory_space<vmem>>, %arg17: memref<80xi32, #tpu.memory_space<vmem>>, %arg18: memref<80xi32, #tpu.memory_space<vmem>>, %arg19: memref<80xi32, #tpu.memory_space<vmem>>, %arg20: memref<80x128xf32, #tpu.memory_space<vmem>>, %arg21: memref<80x128xf32, #tpu.memory_space<vmem>>, %arg22: memref<80x128xf32, #tpu.memory_space<vmem>>, %arg23: memref<80x128xf32, #tpu.memory_space<vmem>>, %arg24: memref<80xf32, #tpu.memory_space<vmem>>, %arg25: memref<80xf32, #tpu.memory_space<vmem>>, %arg26: memref<80xf32, #tpu.memory_space<vmem>>, %arg27: memref<80xf32, #tpu.memory_space<vmem>>, %arg28: memref<!tpu.dma_semaphore, #tpu.memory_space<semaphore_mem>>, %arg29: memref<!tpu.dma_semaphore, #tpu.memory_space<semaphore_mem>>, %arg30: memref<!tpu.dma_semaphore, #tpu.memory_space<semaphore_mem>>, %arg31: memref<!tpu.dma_semaphore, #tpu.memory_space<semaphore_mem>>, %arg32: memref<!tpu.dma_semaphore, #tpu.memory_space<semaphore_mem>>, %arg33: memref<!tpu.dma_semaphore, #tpu.memory_space<semaphore_mem>>, %arg34: memref<!tpu.dma_semaphore, #tpu.memory_space<semaphore_mem>>, %arg35: memref<!tpu.dma_semaphore, #tpu.memory_space<semaphore_mem>>, %arg36: memref<!tpu.dma_semaphore, #tpu.memory_space<semaphore_mem>>, %arg37: memref<!tpu.dma_semaphore, #tpu.memory_space<semaphore_mem>>, %arg38: memref<!tpu.dma_semaphore, #tpu.memory_space<semaphore_mem>>, %arg39: memref<!tpu.dma_semaphore, #tpu.memory_space<semaphore_mem>>) attributes {dimension_semantics = [#tpu.dimension_semantics<core_parallel>, #tpu.dimension_semantics<subcore_parallel>], iteration_bounds = array<i64: 2, 16>, scalar_prefetch = 0 : i64, scratch_operands = 30 : i64, tpu.core_type = #tpu.core_type<sc_vector_subcore>, window_params = [{transform_indices = #map}, {transform_indices = #map}, {transform_indices = #map1}, {transform_indices = #map}, {transform_indices = #map1}, {transform_indices = #map}, {transform_indices = #map2}, {transform_indices = #map1}]} {
    %mul3A = arith.constant 16 : i32
    %mul3A_0 = arith.muli %arg0, %mul3A : i32
    %add3A = arith.addi %mul3A_0, %arg1 : i32
    %mul3A_1 = arith.constant 125 : i32
    %mul3A_2 = arith.muli %add3A, %mul3A_1 : i32
    %mul3A_3 = arith.constant 640 : i32
    %mul3A_4 = arith.muli %arg1, %mul3A_3 : i32
    "tpu.region"() ({
      %run_scoped3A = tpu.sem_alloc : memref<!tpu.dma_semaphore, #tpu.memory_space<semaphore_mem>>
      %dma_start3A_89 = arith.constant 0 : i32
      %dma_start3A_90 = tpu.memref_slice %arg10[%mul3A_4, %dma_start3A_89] : memref<10240x128xf32, #tpu.memory_space<vmem_shared>> -> memref<640x128xf32, #tpu.memory_space<vmem_shared>>
      tpu.enqueue_dma source(%arg6 : memref<640x128xf32, #tpu.memory_space<hbm>>) target(%dma_start3A_90 : memref<640x128xf32, #tpu.memory_space<vmem_shared>>) target_semaphore(%run_scoped3A : memref<!tpu.dma_semaphore, #tpu.memory_space<semaphore_mem>>)
      %dma_wait3A_91 = arith.constant 0 : i32
      %dma_wait3A_92 = tpu.memref_slice %arg10[%mul3A_4, %dma_wait3A_91] : memref<10240x128xf32, #tpu.memory_space<vmem_shared>> -> memref<640x128xf32, #tpu.memory_space<vmem_shared>>
      tpu.wait_dma2 semaphore(%run_scoped3A : memref<!tpu.dma_semaphore, #tpu.memory_space<semaphore_mem>>) src(%arg6 : memref<640x128xf32, #tpu.memory_space<hbm>>) dst(%dma_wait3A_92 : memref<640x128xf32, #tpu.memory_space<vmem_shared>>)
      tpu.yield
    }) : () -> ()
    %mul3A_5 = arith.constant 640 : i32
    %mul3A_6 = arith.muli %arg1, %mul3A_5 : i32
    "tpu.region"() ({
      %run_scoped3A = tpu.sem_alloc : memref<!tpu.dma_semaphore, #tpu.memory_space<semaphore_mem>>
      %dma_start3A_89 = tpu.memref_slice %arg11[%mul3A_6] : memref<10240xf32, #tpu.memory_space<vmem_shared>> -> memref<640xf32, #tpu.memory_space<vmem_shared>>
      tpu.enqueue_dma source(%arg7 : memref<640xf32, #tpu.memory_space<hbm>>) target(%dma_start3A_89 : memref<640xf32, #tpu.memory_space<vmem_shared>>) target_semaphore(%run_scoped3A : memref<!tpu.dma_semaphore, #tpu.memory_space<semaphore_mem>>)
      %dma_wait3A_90 = tpu.memref_slice %arg11[%mul3A_6] : memref<10240xf32, #tpu.memory_space<vmem_shared>> -> memref<640xf32, #tpu.memory_space<vmem_shared>>
      tpu.wait_dma2 semaphore(%run_scoped3A : memref<!tpu.dma_semaphore, #tpu.memory_space<semaphore_mem>>) src(%arg7 : memref<640xf32, #tpu.memory_space<hbm>>) dst(%dma_wait3A_90 : memref<640xf32, #tpu.memory_space<vmem_shared>>)
      tpu.yield
    }) : () -> ()
    %barrier3A = arith.constant 0 : index
    tpu.barrier barrier_id(%barrier3A)
    %add3A_7 = arith.constant 0 : i32
    %add3A_8 = arith.addi %mul3A_2, %add3A_7 : i32
    %mul3A_9 = arith.constant 80 : i32
    %mul3A_10 = arith.muli %add3A_8, %mul3A_9 : i32
    %dma_start3A = tpu.memref_slice %arg2[%mul3A_10] : memref<320000xi32, #tpu.memory_space<hbm>> -> memref<80xi32, #tpu.memory_space<hbm>>
    %dma_start3A_11 = tpu.memref_slice %arg2[%mul3A_10] : memref<320000xi32, #tpu.memory_space<hbm>> -> memref<80xi32, #tpu.memory_space<hbm>>
    tpu.enqueue_dma source(%dma_start3A_11 : memref<80xi32, #tpu.memory_space<hbm>>) target(%arg12 : memref<80xi32, #tpu.memory_space<vmem>>) target_semaphore(%arg28 : memref<!tpu.dma_semaphore, #tpu.memory_space<semaphore_mem>>)
    %dma_start3A_12 = tpu.memref_slice %arg3[%mul3A_10] : memref<320000xi32, #tpu.memory_space<hbm>> -> memref<80xi32, #tpu.memory_space<hbm>>
    %dma_start3A_13 = tpu.memref_slice %arg3[%mul3A_10] : memref<320000xi32, #tpu.memory_space<hbm>> -> memref<80xi32, #tpu.memory_space<hbm>>
    tpu.enqueue_dma source(%dma_start3A_13 : memref<80xi32, #tpu.memory_space<hbm>>) target(%arg16 : memref<80xi32, #tpu.memory_space<vmem>>) target_semaphore(%arg28 : memref<!tpu.dma_semaphore, #tpu.memory_space<semaphore_mem>>)
    %add3A_14 = arith.constant 1 : i32
    %add3A_15 = arith.addi %mul3A_2, %add3A_14 : i32
    %mul3A_16 = arith.constant 80 : i32
    %mul3A_17 = arith.muli %add3A_15, %mul3A_16 : i32
    %dma_start3A_18 = tpu.memref_slice %arg2[%mul3A_17] : memref<320000xi32, #tpu.memory_space<hbm>> -> memref<80xi32, #tpu.memory_space<hbm>>
    %dma_start3A_19 = tpu.memref_slice %arg2[%mul3A_17] : memref<320000xi32, #tpu.memory_space<hbm>> -> memref<80xi32, #tpu.memory_space<hbm>>
    tpu.enqueue_dma source(%dma_start3A_19 : memref<80xi32, #tpu.memory_space<hbm>>) target(%arg13 : memref<80xi32, #tpu.memory_space<vmem>>) target_semaphore(%arg29 : memref<!tpu.dma_semaphore, #tpu.memory_space<semaphore_mem>>)
    %dma_start3A_20 = tpu.memref_slice %arg3[%mul3A_17] : memref<320000xi32, #tpu.memory_space<hbm>> -> memref<80xi32, #tpu.memory_space<hbm>>
    %dma_start3A_21 = tpu.memref_slice %arg3[%mul3A_17] : memref<320000xi32, #tpu.memory_space<hbm>> -> memref<80xi32, #tpu.memory_space<hbm>>
    tpu.enqueue_dma source(%dma_start3A_21 : memref<80xi32, #tpu.memory_space<hbm>>) target(%arg17 : memref<80xi32, #tpu.memory_space<vmem>>) target_semaphore(%arg29 : memref<!tpu.dma_semaphore, #tpu.memory_space<semaphore_mem>>)
    %add3A_22 = arith.constant 2 : i32
    %add3A_23 = arith.addi %mul3A_2, %add3A_22 : i32
    %mul3A_24 = arith.constant 80 : i32
    %mul3A_25 = arith.muli %add3A_23, %mul3A_24 : i32
    %dma_start3A_26 = tpu.memref_slice %arg2[%mul3A_25] : memref<320000xi32, #tpu.memory_space<hbm>> -> memref<80xi32, #tpu.memory_space<hbm>>
    %dma_start3A_27 = tpu.memref_slice %arg2[%mul3A_25] : memref<320000xi32, #tpu.memory_space<hbm>> -> memref<80xi32, #tpu.memory_space<hbm>>
    tpu.enqueue_dma source(%dma_start3A_27 : memref<80xi32, #tpu.memory_space<hbm>>) target(%arg14 : memref<80xi32, #tpu.memory_space<vmem>>) target_semaphore(%arg30 : memref<!tpu.dma_semaphore, #tpu.memory_space<semaphore_mem>>)
    %dma_start3A_28 = tpu.memref_slice %arg3[%mul3A_25] : memref<320000xi32, #tpu.memory_space<hbm>> -> memref<80xi32, #tpu.memory_space<hbm>>
    %dma_start3A_29 = tpu.memref_slice %arg3[%mul3A_25] : memref<320000xi32, #tpu.memory_space<hbm>> -> memref<80xi32, #tpu.memory_space<hbm>>
    tpu.enqueue_dma source(%dma_start3A_29 : memref<80xi32, #tpu.memory_space<hbm>>) target(%arg18 : memref<80xi32, #tpu.memory_space<vmem>>) target_semaphore(%arg30 : memref<!tpu.dma_semaphore, #tpu.memory_space<semaphore_mem>>)
    %add3A_30 = arith.constant 0 : i32
    %add3A_31 = arith.addi %mul3A_2, %add3A_30 : i32
    %mul3A_32 = arith.constant 80 : i32
    %mul3A_33 = arith.muli %add3A_31, %mul3A_32 : i32
    %dma_wait3A = tpu.memref_slice %arg2[%mul3A_33] : memref<320000xi32, #tpu.memory_space<hbm>> -> memref<80xi32, #tpu.memory_space<hbm>>
    %dma_wait3A_34 = tpu.memref_slice %arg2[%mul3A_33] : memref<320000xi32, #tpu.memory_space<hbm>> -> memref<80xi32, #tpu.memory_space<hbm>>
    tpu.wait_dma2 semaphore(%arg28 : memref<!tpu.dma_semaphore, #tpu.memory_space<semaphore_mem>>) src(%dma_wait3A_34 : memref<80xi32, #tpu.memory_space<hbm>>) dst(%arg12 : memref<80xi32, #tpu.memory_space<vmem>>)
    %dma_wait3A_35 = tpu.memref_slice %arg3[%mul3A_33] : memref<320000xi32, #tpu.memory_space<hbm>> -> memref<80xi32, #tpu.memory_space<hbm>>
    %dma_wait3A_36 = tpu.memref_slice %arg3[%mul3A_33] : memref<320000xi32, #tpu.memory_space<hbm>> -> memref<80xi32, #tpu.memory_space<hbm>>
    tpu.wait_dma2 semaphore(%arg28 : memref<!tpu.dma_semaphore, #tpu.memory_space<semaphore_mem>>) src(%dma_wait3A_36 : memref<80xi32, #tpu.memory_space<hbm>>) dst(%arg16 : memref<80xi32, #tpu.memory_space<vmem>>)
    %dma_start3A_37 = arith.constant 0 : i32
    %dma_start3A_38 = arith.constant 0 : i32
    %dma_start3A_39 = tpu.memref_slice %arg4[%dma_start3A_37, %dma_start3A_38] : memref<10000x128xf32, #tpu.memory_space<hbm>> -> memref<10000x128xf32, #tpu.memory_space<hbm>>
    tpu.enqueue_indirect_dma source(%dma_start3A_39 : memref<10000x128xf32, #tpu.memory_space<hbm>>) target(%arg20 : memref<80x128xf32, #tpu.memory_space<vmem>>) offsets(%arg12 : memref<80xi32, #tpu.memory_space<vmem>>) semaphore(%arg32 : memref<!tpu.dma_semaphore, #tpu.memory_space<semaphore_mem>>)
    %dma_start3A_40 = arith.constant 0 : i32
    %dma_start3A_41 = tpu.memref_slice %arg5[%dma_start3A_40] : memref<10000xf32, #tpu.memory_space<hbm>> -> memref<10000xf32, #tpu.memory_space<hbm>>
    tpu.enqueue_indirect_dma source(%dma_start3A_41 : memref<10000xf32, #tpu.memory_space<hbm>>) target(%arg24 : memref<80xf32, #tpu.memory_space<vmem>>) offsets(%arg16 : memref<80xi32, #tpu.memory_space<vmem>>) semaphore(%arg32 : memref<!tpu.dma_semaphore, #tpu.memory_space<semaphore_mem>>)
    %add3A_42 = arith.constant 1 : i32
    %add3A_43 = arith.addi %mul3A_2, %add3A_42 : i32
    %mul3A_44 = arith.constant 80 : i32
    %mul3A_45 = arith.muli %add3A_43, %mul3A_44 : i32
    %dma_wait3A_46 = tpu.memref_slice %arg2[%mul3A_45] : memref<320000xi32, #tpu.memory_space<hbm>> -> memref<80xi32, #tpu.memory_space<hbm>>
    %dma_wait3A_47 = tpu.memref_slice %arg2[%mul3A_45] : memref<320000xi32, #tpu.memory_space<hbm>> -> memref<80xi32, #tpu.memory_space<hbm>>
    tpu.wait_dma2 semaphore(%arg29 : memref<!tpu.dma_semaphore, #tpu.memory_space<semaphore_mem>>) src(%dma_wait3A_47 : memref<80xi32, #tpu.memory_space<hbm>>) dst(%arg13 : memref<80xi32, #tpu.memory_space<vmem>>)
    %dma_wait3A_48 = tpu.memref_slice %arg3[%mul3A_45] : memref<320000xi32, #tpu.memory_space<hbm>> -> memref<80xi32, #tpu.memory_space<hbm>>
    %dma_wait3A_49 = tpu.memref_slice %arg3[%mul3A_45] : memref<320000xi32, #tpu.memory_space<hbm>> -> memref<80xi32, #tpu.memory_space<hbm>>
    tpu.wait_dma2 semaphore(%arg29 : memref<!tpu.dma_semaphore, #tpu.memory_space<semaphore_mem>>) src(%dma_wait3A_49 : memref<80xi32, #tpu.memory_space<hbm>>) dst(%arg17 : memref<80xi32, #tpu.memory_space<vmem>>)
    %dma_start3A_50 = arith.constant 0 : i32
    %dma_start3A_51 = arith.constant 0 : i32
    %dma_start3A_52 = tpu.memref_slice %arg4[%dma_start3A_50, %dma_start3A_51] : memref<10000x128xf32, #tpu.memory_space<hbm>> -> memref<10000x128xf32, #tpu.memory_space<hbm>>
    tpu.enqueue_indirect_dma source(%dma_start3A_52 : memref<10000x128xf32, #tpu.memory_space<hbm>>) target(%arg21 : memref<80x128xf32, #tpu.memory_space<vmem>>) offsets(%arg13 : memref<80xi32, #tpu.memory_space<vmem>>) semaphore(%arg33 : memref<!tpu.dma_semaphore, #tpu.memory_space<semaphore_mem>>)
    %dma_start3A_53 = arith.constant 0 : i32
    %dma_start3A_54 = tpu.memref_slice %arg5[%dma_start3A_53] : memref<10000xf32, #tpu.memory_space<hbm>> -> memref<10000xf32, #tpu.memory_space<hbm>>
    tpu.enqueue_indirect_dma source(%dma_start3A_54 : memref<10000xf32, #tpu.memory_space<hbm>>) target(%arg25 : memref<80xf32, #tpu.memory_space<vmem>>) offsets(%arg17 : memref<80xi32, #tpu.memory_space<vmem>>) semaphore(%arg33 : memref<!tpu.dma_semaphore, #tpu.memory_space<semaphore_mem>>)
    %scan3A = arith.constant 0 : i32
    %scan3A_55 = arith.constant 0 : i32
    %scan3A_56 = arith.constant 31 : i32
    %scan3A_57 = arith.addi %scan3A_55, %scan3A_56 : i32
    %scan3A_58 = arith.constant 1 : i32
    scf.for %scan3A_89 = %scan3A_55 to %scan3A_57 step %scan3A_58  : i32 {
      %mul3A_90 = arith.constant 4 : i32
      %mul3A_91 = arith.muli %mul3A_90, %scan3A_89 : i32
      %add3A_92 = arith.constant 0 : i32
      %add3A_93 = arith.addi %mul3A_91, %add3A_92 : i32
      %dma_wait3A_94 = arith.constant 0 : i32
      %dma_wait3A_95 = arith.constant 0 : i32
      %dma_wait3A_96 = tpu.memref_slice %arg4[%dma_wait3A_94, %dma_wait3A_95] : memref<10000x128xf32, #tpu.memory_space<hbm>> -> memref<10000x128xf32, #tpu.memory_space<hbm>>
      tpu.wait_indirect_dma semaphore(%arg32 : memref<!tpu.dma_semaphore, #tpu.memory_space<semaphore_mem>>) src(%dma_wait3A_96 : memref<10000x128xf32, #tpu.memory_space<hbm>>) dst(%arg20 : memref<80x128xf32, #tpu.memory_space<vmem>>)
      %dma_wait3A_97 = arith.constant 0 : i32
      %dma_wait3A_98 = tpu.memref_slice %arg5[%dma_wait3A_97] : memref<10000xf32, #tpu.memory_space<hbm>> -> memref<10000xf32, #tpu.memory_space<hbm>>
      tpu.wait_indirect_dma semaphore(%arg32 : memref<!tpu.dma_semaphore, #tpu.memory_space<semaphore_mem>>) src(%dma_wait3A_98 : memref<10000xf32, #tpu.memory_space<hbm>>) dst(%arg24 : memref<80xf32, #tpu.memory_space<vmem>>)
      %dma_start3A_99 = arith.constant 0 : i32
      %dma_start3A_100 = arith.constant 0 : i32
      %dma_start3A_101 = tpu.memref_slice %arg10[%dma_start3A_99, %dma_start3A_100] : memref<10240x128xf32, #tpu.memory_space<vmem_shared>> -> memref<10240x128xf32, #tpu.memory_space<vmem_shared>>
      tpu.enqueue_indirect_dma source(%arg20 : memref<80x128xf32, #tpu.memory_space<vmem>>) target(%dma_start3A_101 : memref<10240x128xf32, #tpu.memory_space<vmem_shared>>) offsets(%arg16 : memref<80xi32, #tpu.memory_space<vmem>>) semaphore(%arg36 : memref<!tpu.dma_semaphore, #tpu.memory_space<semaphore_mem>>) {add = true}
      %dma_start3A_102 = arith.constant 0 : i32
      %dma_start3A_103 = tpu.memref_slice %arg11[%dma_start3A_102] : memref<10240xf32, #tpu.memory_space<vmem_shared>> -> memref<10240xf32, #tpu.memory_space<vmem_shared>>
      tpu.enqueue_indirect_dma source(%arg24 : memref<80xf32, #tpu.memory_space<vmem>>) target(%dma_start3A_103 : memref<10240xf32, #tpu.memory_space<vmem_shared>>) offsets(%arg12 : memref<80xi32, #tpu.memory_space<vmem>>) semaphore(%arg36 : memref<!tpu.dma_semaphore, #tpu.memory_space<semaphore_mem>>) {add = true}
      %ge3A = arith.constant 1 : i32
      %ge3A_104 = arith.cmpi sge, %add3A_93, %ge3A : i32
      %convert_element_type3A = arith.extui %ge3A_104 : i1 to i32
      %cond3A = arith.constant 0 : i32
      %cond3A_105 = arith.cmpi ne, %convert_element_type3A, %cond3A : i32
      scf.if %cond3A_105 {
        %dma_wait3A_218 = arith.constant 0 : i32
        %dma_wait3A_219 = arith.constant 0 : i32
        %dma_wait3A_220 = tpu.memref_slice %arg10[%dma_wait3A_218, %dma_wait3A_219] : memref<10240x128xf32, #tpu.memory_space<vmem_shared>> -> memref<10240x128xf32, #tpu.memory_space<vmem_shared>>
        tpu.wait_indirect_dma semaphore(%arg39 : memref<!tpu.dma_semaphore, #tpu.memory_space<semaphore_mem>>) src(%arg23 : memref<80x128xf32, #tpu.memory_space<vmem>>) dst(%dma_wait3A_220 : memref<10240x128xf32, #tpu.memory_space<vmem_shared>>)
        %dma_wait3A_221 = arith.constant 0 : i32
        %dma_wait3A_222 = tpu.memref_slice %arg11[%dma_wait3A_221] : memref<10240xf32, #tpu.memory_space<vmem_shared>> -> memref<10240xf32, #tpu.memory_space<vmem_shared>>
        tpu.wait_indirect_dma semaphore(%arg39 : memref<!tpu.dma_semaphore, #tpu.memory_space<semaphore_mem>>) src(%arg27 : memref<80xf32, #tpu.memory_space<vmem>>) dst(%dma_wait3A_222 : memref<10240xf32, #tpu.memory_space<vmem_shared>>)
      } else {
      }
      %add3A_106 = arith.constant 2 : i32
      %add3A_107 = arith.addi %add3A_93, %add3A_106 : i32
      %le3A = arith.constant 124 : i32
      %le3A_108 = arith.cmpi sle, %add3A_107, %le3A : i32
      %convert_element_type3A_109 = arith.extui %le3A_108 : i1 to i32
      %cond3A_110 = arith.constant 0 : i32
      %cond3A_111 = arith.cmpi ne, %convert_element_type3A_109, %cond3A_110 : i32
      scf.if %cond3A_111 {
        %add3A_218 = arith.constant 2 : i32
        %add3A_219 = arith.addi %add3A_93, %add3A_218 : i32
        %add3A_220 = arith.addi %mul3A_2, %add3A_219 : i32
        %mul3A_221 = arith.constant 80 : i32
        %mul3A_222 = arith.muli %add3A_220, %mul3A_221 : i32
        %dma_wait3A_223 = tpu.memref_slice %arg2[%mul3A_222] : memref<320000xi32, #tpu.memory_space<hbm>> -> memref<80xi32, #tpu.memory_space<hbm>>
        %dma_wait3A_224 = tpu.memref_slice %arg2[%mul3A_222] : memref<320000xi32, #tpu.memory_space<hbm>> -> memref<80xi32, #tpu.memory_space<hbm>>
        tpu.wait_dma2 semaphore(%arg30 : memref<!tpu.dma_semaphore, #tpu.memory_space<semaphore_mem>>) src(%dma_wait3A_224 : memref<80xi32, #tpu.memory_space<hbm>>) dst(%arg14 : memref<80xi32, #tpu.memory_space<vmem>>)
        %dma_wait3A_225 = tpu.memref_slice %arg3[%mul3A_222] : memref<320000xi32, #tpu.memory_space<hbm>> -> memref<80xi32, #tpu.memory_space<hbm>>
        %dma_wait3A_226 = tpu.memref_slice %arg3[%mul3A_222] : memref<320000xi32, #tpu.memory_space<hbm>> -> memref<80xi32, #tpu.memory_space<hbm>>
        tpu.wait_dma2 semaphore(%arg30 : memref<!tpu.dma_semaphore, #tpu.memory_space<semaphore_mem>>) src(%dma_wait3A_226 : memref<80xi32, #tpu.memory_space<hbm>>) dst(%arg18 : memref<80xi32, #tpu.memory_space<vmem>>)
        %dma_start3A_227 = arith.constant 0 : i32
        %dma_start3A_228 = arith.constant 0 : i32
        %dma_start3A_229 = tpu.memref_slice %arg4[%dma_start3A_227, %dma_start3A_228] : memref<10000x128xf32, #tpu.memory_space<hbm>> -> memref<10000x128xf32, #tpu.memory_space<hbm>>
        tpu.enqueue_indirect_dma source(%dma_start3A_229 : memref<10000x128xf32, #tpu.memory_space<hbm>>) target(%arg22 : memref<80x128xf32, #tpu.memory_space<vmem>>) offsets(%arg14 : memref<80xi32, #tpu.memory_space<vmem>>) semaphore(%arg34 : memref<!tpu.dma_semaphore, #tpu.memory_space<semaphore_mem>>)
        %dma_start3A_230 = arith.constant 0 : i32
        %dma_start3A_231 = tpu.memref_slice %arg5[%dma_start3A_230] : memref<10000xf32, #tpu.memory_space<hbm>> -> memref<10000xf32, #tpu.memory_space<hbm>>
        tpu.enqueue_indirect_dma source(%dma_start3A_231 : memref<10000xf32, #tpu.memory_space<hbm>>) target(%arg26 : memref<80xf32, #tpu.memory_space<vmem>>) offsets(%arg18 : memref<80xi32, #tpu.memory_space<vmem>>) semaphore(%arg34 : memref<!tpu.dma_semaphore, #tpu.memory_space<semaphore_mem>>)
      } else {
      }
      %add3A_112 = arith.constant 3 : i32
      %add3A_113 = arith.addi %add3A_93, %add3A_112 : i32
      %le3A_114 = arith.constant 124 : i32
      %le3A_115 = arith.cmpi sle, %add3A_113, %le3A_114 : i32
      %convert_element_type3A_116 = arith.extui %le3A_115 : i1 to i32
      %cond3A_117 = arith.constant 0 : i32
      %cond3A_118 = arith.cmpi ne, %convert_element_type3A_116, %cond3A_117 : i32
      scf.if %cond3A_118 {
        %add3A_218 = arith.constant 3 : i32
        %add3A_219 = arith.addi %add3A_93, %add3A_218 : i32
        %add3A_220 = arith.addi %mul3A_2, %add3A_219 : i32
        %mul3A_221 = arith.constant 80 : i32
        %mul3A_222 = arith.muli %add3A_220, %mul3A_221 : i32
        %dma_start3A_223 = tpu.memref_slice %arg2[%mul3A_222] : memref<320000xi32, #tpu.memory_space<hbm>> -> memref<80xi32, #tpu.memory_space<hbm>>
        %dma_start3A_224 = tpu.memref_slice %arg2[%mul3A_222] : memref<320000xi32, #tpu.memory_space<hbm>> -> memref<80xi32, #tpu.memory_space<hbm>>
        tpu.enqueue_dma source(%dma_start3A_224 : memref<80xi32, #tpu.memory_space<hbm>>) target(%arg15 : memref<80xi32, #tpu.memory_space<vmem>>) target_semaphore(%arg31 : memref<!tpu.dma_semaphore, #tpu.memory_space<semaphore_mem>>)
        %dma_start3A_225 = tpu.memref_slice %arg3[%mul3A_222] : memref<320000xi32, #tpu.memory_space<hbm>> -> memref<80xi32, #tpu.memory_space<hbm>>
        %dma_start3A_226 = tpu.memref_slice %arg3[%mul3A_222] : memref<320000xi32, #tpu.memory_space<hbm>> -> memref<80xi32, #tpu.memory_space<hbm>>
        tpu.enqueue_dma source(%dma_start3A_226 : memref<80xi32, #tpu.memory_space<hbm>>) target(%arg19 : memref<80xi32, #tpu.memory_space<vmem>>) target_semaphore(%arg31 : memref<!tpu.dma_semaphore, #tpu.memory_space<semaphore_mem>>)
      } else {
      }
      %mul3A_119 = arith.constant 4 : i32
      %mul3A_120 = arith.muli %mul3A_119, %scan3A_89 : i32
      %add3A_121 = arith.constant 1 : i32
      %add3A_122 = arith.addi %mul3A_120, %add3A_121 : i32
      %dma_wait3A_123 = arith.constant 0 : i32
      %dma_wait3A_124 = arith.constant 0 : i32
      %dma_wait3A_125 = tpu.memref_slice %arg4[%dma_wait3A_123, %dma_wait3A_124] : memref<10000x128xf32, #tpu.memory_space<hbm>> -> memref<10000x128xf32, #tpu.memory_space<hbm>>
      tpu.wait_indirect_dma semaphore(%arg33 : memref<!tpu.dma_semaphore, #tpu.memory_space<semaphore_mem>>) src(%dma_wait3A_125 : memref<10000x128xf32, #tpu.memory_space<hbm>>) dst(%arg21 : memref<80x128xf32, #tpu.memory_space<vmem>>)
      %dma_wait3A_126 = arith.constant 0 : i32
      %dma_wait3A_127 = tpu.memref_slice %arg5[%dma_wait3A_126] : memref<10000xf32, #tpu.memory_space<hbm>> -> memref<10000xf32, #tpu.memory_space<hbm>>
      tpu.wait_indirect_dma semaphore(%arg33 : memref<!tpu.dma_semaphore, #tpu.memory_space<semaphore_mem>>) src(%dma_wait3A_127 : memref<10000xf32, #tpu.memory_space<hbm>>) dst(%arg25 : memref<80xf32, #tpu.memory_space<vmem>>)
      %dma_start3A_128 = arith.constant 0 : i32
      %dma_start3A_129 = arith.constant 0 : i32
      %dma_start3A_130 = tpu.memref_slice %arg10[%dma_start3A_128, %dma_start3A_129] : memref<10240x128xf32, #tpu.memory_space<vmem_shared>> -> memref<10240x128xf32, #tpu.memory_space<vmem_shared>>
      tpu.enqueue_indirect_dma source(%arg21 : memref<80x128xf32, #tpu.memory_space<vmem>>) target(%dma_start3A_130 : memref<10240x128xf32, #tpu.memory_space<vmem_shared>>) offsets(%arg17 : memref<80xi32, #tpu.memory_space<vmem>>) semaphore(%arg37 : memref<!tpu.dma_semaphore, #tpu.memory_space<semaphore_mem>>) {add = true}
      %dma_start3A_131 = arith.constant 0 : i32
      %dma_start3A_132 = tpu.memref_slice %arg11[%dma_start3A_131] : memref<10240xf32, #tpu.memory_space<vmem_shared>> -> memref<10240xf32, #tpu.memory_space<vmem_shared>>
      tpu.enqueue_indirect_dma source(%arg25 : memref<80xf32, #tpu.memory_space<vmem>>) target(%dma_start3A_132 : memref<10240xf32, #tpu.memory_space<vmem_shared>>) offsets(%arg13 : memref<80xi32, #tpu.memory_space<vmem>>) semaphore(%arg37 : memref<!tpu.dma_semaphore, #tpu.memory_space<semaphore_mem>>) {add = true}
      %ge3A_133 = arith.constant 1 : i32
      %ge3A_134 = arith.cmpi sge, %add3A_122, %ge3A_133 : i32
      %convert_element_type3A_135 = arith.extui %ge3A_134 : i1 to i32
      %cond3A_136 = arith.constant 0 : i32
      %cond3A_137 = arith.cmpi ne, %convert_element_type3A_135, %cond3A_136 : i32
      scf.if %cond3A_137 {
        %dma_wait3A_218 = arith.constant 0 : i32
        %dma_wait3A_219 = arith.constant 0 : i32
        %dma_wait3A_220 = tpu.memref_slice %arg10[%dma_wait3A_218, %dma_wait3A_219] : memref<10240x128xf32, #tpu.memory_space<vmem_shared>> -> memref<10240x128xf32, #tpu.memory_space<vmem_shared>>
        tpu.wait_indirect_dma semaphore(%arg36 : memref<!tpu.dma_semaphore, #tpu.memory_space<semaphore_mem>>) src(%arg20 : memref<80x128xf32, #tpu.memory_space<vmem>>) dst(%dma_wait3A_220 : memref<10240x128xf32, #tpu.memory_space<vmem_shared>>)
        %dma_wait3A_221 = arith.constant 0 : i32
        %dma_wait3A_222 = tpu.memref_slice %arg11[%dma_wait3A_221] : memref<10240xf32, #tpu.memory_space<vmem_shared>> -> memref<10240xf32, #tpu.memory_space<vmem_shared>>
        tpu.wait_indirect_dma semaphore(%arg36 : memref<!tpu.dma_semaphore, #tpu.memory_space<semaphore_mem>>) src(%arg24 : memref<80xf32, #tpu.memory_space<vmem>>) dst(%dma_wait3A_222 : memref<10240xf32, #tpu.memory_space<vmem_shared>>)
      } else {
      }
      %add3A_138 = arith.constant 2 : i32
      %add3A_139 = arith.addi %add3A_122, %add3A_138 : i32
      %le3A_140 = arith.constant 124 : i32
      %le3A_141 = arith.cmpi sle, %add3A_139, %le3A_140 : i32
      %convert_element_type3A_142 = arith.extui %le3A_141 : i1 to i32
      %cond3A_143 = arith.constant 0 : i32
      %cond3A_144 = arith.cmpi ne, %convert_element_type3A_142, %cond3A_143 : i32
      scf.if %cond3A_144 {
        %add3A_218 = arith.constant 2 : i32
        %add3A_219 = arith.addi %add3A_122, %add3A_218 : i32
        %add3A_220 = arith.addi %mul3A_2, %add3A_219 : i32
        %mul3A_221 = arith.constant 80 : i32
        %mul3A_222 = arith.muli %add3A_220, %mul3A_221 : i32
        %dma_wait3A_223 = tpu.memref_slice %arg2[%mul3A_222] : memref<320000xi32, #tpu.memory_space<hbm>> -> memref<80xi32, #tpu.memory_space<hbm>>
        %dma_wait3A_224 = tpu.memref_slice %arg2[%mul3A_222] : memref<320000xi32, #tpu.memory_space<hbm>> -> memref<80xi32, #tpu.memory_space<hbm>>
        tpu.wait_dma2 semaphore(%arg31 : memref<!tpu.dma_semaphore, #tpu.memory_space<semaphore_mem>>) src(%dma_wait3A_224 : memref<80xi32, #tpu.memory_space<hbm>>) dst(%arg15 : memref<80xi32, #tpu.memory_space<vmem>>)
        %dma_wait3A_225 = tpu.memref_slice %arg3[%mul3A_222] : memref<320000xi32, #tpu.memory_space<hbm>> -> memref<80xi32, #tpu.memory_space<hbm>>
        %dma_wait3A_226 = tpu.memref_slice %arg3[%mul3A_222] : memref<320000xi32, #tpu.memory_space<hbm>> -> memref<80xi32, #tpu.memory_space<hbm>>
        tpu.wait_dma2 semaphore(%arg31 : memref<!tpu.dma_semaphore, #tpu.memory_space<semaphore_mem>>) src(%dma_wait3A_226 : memref<80xi32, #tpu.memory_space<hbm>>) dst(%arg19 : memref<80xi32, #tpu.memory_space<vmem>>)
        %dma_start3A_227 = arith.constant 0 : i32
        %dma_start3A_228 = arith.constant 0 : i32
        %dma_start3A_229 = tpu.memref_slice %arg4[%dma_start3A_227, %dma_start3A_228] : memref<10000x128xf32, #tpu.memory_space<hbm>> -> memref<10000x128xf32, #tpu.memory_space<hbm>>
        tpu.enqueue_indirect_dma source(%dma_start3A_229 : memref<10000x128xf32, #tpu.memory_space<hbm>>) target(%arg23 : memref<80x128xf32, #tpu.memory_space<vmem>>) offsets(%arg15 : memref<80xi32, #tpu.memory_space<vmem>>) semaphore(%arg35 : memref<!tpu.dma_semaphore, #tpu.memory_space<semaphore_mem>>)
        %dma_start3A_230 = arith.constant 0 : i32
        %dma_start3A_231 = tpu.memref_slice %arg5[%dma_start3A_230] : memref<10000xf32, #tpu.memory_space<hbm>> -> memref<10000xf32, #tpu.memory_space<hbm>>
        tpu.enqueue_indirect_dma source(%dma_start3A_231 : memref<10000xf32, #tpu.memory_space<hbm>>) target(%arg27 : memref<80xf32, #tpu.memory_space<vmem>>) offsets(%arg19 : memref<80xi32, #tpu.memory_space<vmem>>) semaphore(%arg35 : memref<!tpu.dma_semaphore, #tpu.memory_space<semaphore_mem>>)
      } else {
      }
      %add3A_145 = arith.constant 3 : i32
      %add3A_146 = arith.addi %add3A_122, %add3A_145 : i32
      %le3A_147 = arith.constant 124 : i32
      %le3A_148 = arith.cmpi sle, %add3A_146, %le3A_147 : i32
      %convert_element_type3A_149 = arith.extui %le3A_148 : i1 to i32
      %cond3A_150 = arith.constant 0 : i32
      %cond3A_151 = arith.cmpi ne, %convert_element_type3A_149, %cond3A_150 : i32
      scf.if %cond3A_151 {
        %add3A_218 = arith.constant 3 : i32
        %add3A_219 = arith.addi %add3A_122, %add3A_218 : i32
        %add3A_220 = arith.addi %mul3A_2, %add3A_219 : i32
        %mul3A_221 = arith.constant 80 : i32
        %mul3A_222 = arith.muli %add3A_220, %mul3A_221 : i32
        %dma_start3A_223 = tpu.memref_slice %arg2[%mul3A_222] : memref<320000xi32, #tpu.memory_space<hbm>> -> memref<80xi32, #tpu.memory_space<hbm>>
        %dma_start3A_224 = tpu.memref_slice %arg2[%mul3A_222] : memref<320000xi32, #tpu.memory_space<hbm>> -> memref<80xi32, #tpu.memory_space<hbm>>
        tpu.enqueue_dma source(%dma_start3A_224 : memref<80xi32, #tpu.memory_space<hbm>>) target(%arg12 : memref<80xi32, #tpu.memory_space<vmem>>) target_semaphore(%arg28 : memref<!tpu.dma_semaphore, #tpu.memory_space<semaphore_mem>>)
        %dma_start3A_225 = tpu.memref_slice %arg3[%mul3A_222] : memref<320000xi32, #tpu.memory_space<hbm>> -> memref<80xi32, #tpu.memory_space<hbm>>
        %dma_start3A_226 = tpu.memref_slice %arg3[%mul3A_222] : memref<320000xi32, #tpu.memory_space<hbm>> -> memref<80xi32, #tpu.memory_space<hbm>>
        tpu.enqueue_dma source(%dma_start3A_226 : memref<80xi32, #tpu.memory_space<hbm>>) target(%arg16 : memref<80xi32, #tpu.memory_space<vmem>>) target_semaphore(%arg28 : memref<!tpu.dma_semaphore, #tpu.memory_space<semaphore_mem>>)
      } else {
      }
      %mul3A_152 = arith.constant 4 : i32
      %mul3A_153 = arith.muli %mul3A_152, %scan3A_89 : i32
      %add3A_154 = arith.constant 2 : i32
      %add3A_155 = arith.addi %mul3A_153, %add3A_154 : i32
      %dma_wait3A_156 = arith.constant 0 : i32
      %dma_wait3A_157 = arith.constant 0 : i32
      %dma_wait3A_158 = tpu.memref_slice %arg4[%dma_wait3A_156, %dma_wait3A_157] : memref<10000x128xf32, #tpu.memory_space<hbm>> -> memref<10000x128xf32, #tpu.memory_space<hbm>>
      tpu.wait_indirect_dma semaphore(%arg34 : memref<!tpu.dma_semaphore, #tpu.memory_space<semaphore_mem>>) src(%dma_wait3A_158 : memref<10000x128xf32, #tpu.memory_space<hbm>>) dst(%arg22 : memref<80x128xf32, #tpu.memory_space<vmem>>)
      %dma_wait3A_159 = arith.constant 0 : i32
      %dma_wait3A_160 = tpu.memref_slice %arg5[%dma_wait3A_159] : memref<10000xf32, #tpu.memory_space<hbm>> -> memref<10000xf32, #tpu.memory_space<hbm>>
      tpu.wait_indirect_dma semaphore(%arg34 : memref<!tpu.dma_semaphore, #tpu.memory_space<semaphore_mem>>) src(%dma_wait3A_160 : memref<10000xf32, #tpu.memory_space<hbm>>) dst(%arg26 : memref<80xf32, #tpu.memory_space<vmem>>)
      %dma_start3A_161 = arith.constant 0 : i32
      %dma_start3A_162 = arith.constant 0 : i32
      %dma_start3A_163 = tpu.memref_slice %arg10[%dma_start3A_161, %dma_start3A_162] : memref<10240x128xf32, #tpu.memory_space<vmem_shared>> -> memref<10240x128xf32, #tpu.memory_space<vmem_shared>>
      tpu.enqueue_indirect_dma source(%arg22 : memref<80x128xf32, #tpu.memory_space<vmem>>) target(%dma_start3A_163 : memref<10240x128xf32, #tpu.memory_space<vmem_shared>>) offsets(%arg18 : memref<80xi32, #tpu.memory_space<vmem>>) semaphore(%arg38 : memref<!tpu.dma_semaphore, #tpu.memory_space<semaphore_mem>>) {add = true}
      %dma_start3A_164 = arith.constant 0 : i32
      %dma_start3A_165 = tpu.memref_slice %arg11[%dma_start3A_164] : memref<10240xf32, #tpu.memory_space<vmem_shared>> -> memref<10240xf32, #tpu.memory_space<vmem_shared>>
      tpu.enqueue_indirect_dma source(%arg26 : memref<80xf32, #tpu.memory_space<vmem>>) target(%dma_start3A_165 : memref<10240xf32, #tpu.memory_space<vmem_shared>>) offsets(%arg14 : memref<80xi32, #tpu.memory_space<vmem>>) semaphore(%arg38 : memref<!tpu.dma_semaphore, #tpu.memory_space<semaphore_mem>>) {add = true}
      %ge3A_166 = arith.constant 1 : i32
      %ge3A_167 = arith.cmpi sge, %add3A_155, %ge3A_166 : i32
      %convert_element_type3A_168 = arith.extui %ge3A_167 : i1 to i32
      %cond3A_169 = arith.constant 0 : i32
      %cond3A_170 = arith.cmpi ne, %convert_element_type3A_168, %cond3A_169 : i32
      scf.if %cond3A_170 {
        %dma_wait3A_218 = arith.constant 0 : i32
        %dma_wait3A_219 = arith.constant 0 : i32
        %dma_wait3A_220 = tpu.memref_slice %arg10[%dma_wait3A_218, %dma_wait3A_219] : memref<10240x128xf32, #tpu.memory_space<vmem_shared>> -> memref<10240x128xf32, #tpu.memory_space<vmem_shared>>
        tpu.wait_indirect_dma semaphore(%arg37 : memref<!tpu.dma_semaphore, #tpu.memory_space<semaphore_mem>>) src(%arg21 : memref<80x128xf32, #tpu.memory_space<vmem>>) dst(%dma_wait3A_220 : memref<10240x128xf32, #tpu.memory_space<vmem_shared>>)
        %dma_wait3A_221 = arith.constant 0 : i32
        %dma_wait3A_222 = tpu.memref_slice %arg11[%dma_wait3A_221] : memref<10240xf32, #tpu.memory_space<vmem_shared>> -> memref<10240xf32, #tpu.memory_space<vmem_shared>>
        tpu.wait_indirect_dma semaphore(%arg37 : memref<!tpu.dma_semaphore, #tpu.memory_space<semaphore_mem>>) src(%arg25 : memref<80xf32, #tpu.memory_space<vmem>>) dst(%dma_wait3A_222 : memref<10240xf32, #tpu.memory_space<vmem_shared>>)
      } else {
      }
      %add3A_171 = arith.constant 2 : i32
      %add3A_172 = arith.addi %add3A_155, %add3A_171 : i32
      %le3A_173 = arith.constant 124 : i32
      %le3A_174 = arith.cmpi sle, %add3A_172, %le3A_173 : i32
      %convert_element_type3A_175 = arith.extui %le3A_174 : i1 to i32
      %cond3A_176 = arith.constant 0 : i32
      %cond3A_177 = arith.cmpi ne, %convert_element_type3A_175, %cond3A_176 : i32
      scf.if %cond3A_177 {
        %add3A_218 = arith.constant 2 : i32
        %add3A_219 = arith.addi %add3A_155, %add3A_218 : i32
        %add3A_220 = arith.addi %mul3A_2, %add3A_219 : i32
        %mul3A_221 = arith.constant 80 : i32
        %mul3A_222 = arith.muli %add3A_220, %mul3A_221 : i32
        %dma_wait3A_223 = tpu.memref_slice %arg2[%mul3A_222] : memref<320000xi32, #tpu.memory_space<hbm>> -> memref<80xi32, #tpu.memory_space<hbm>>
        %dma_wait3A_224 = tpu.memref_slice %arg2[%mul3A_222] : memref<320000xi32, #tpu.memory_space<hbm>> -> memref<80xi32, #tpu.memory_space<hbm>>
        tpu.wait_dma2 semaphore(%arg28 : memref<!tpu.dma_semaphore, #tpu.memory_space<semaphore_mem>>) src(%dma_wait3A_224 : memref<80xi32, #tpu.memory_space<hbm>>) dst(%arg12 : memref<80xi32, #tpu.memory_space<vmem>>)
        %dma_wait3A_225 = tpu.memref_slice %arg3[%mul3A_222] : memref<320000xi32, #tpu.memory_space<hbm>> -> memref<80xi32, #tpu.memory_space<hbm>>
        %dma_wait3A_226 = tpu.memref_slice %arg3[%mul3A_222] : memref<320000xi32, #tpu.memory_space<hbm>> -> memref<80xi32, #tpu.memory_space<hbm>>
        tpu.wait_dma2 semaphore(%arg28 : memref<!tpu.dma_semaphore, #tpu.memory_space<semaphore_mem>>) src(%dma_wait3A_226 : memref<80xi32, #tpu.memory_space<hbm>>) dst(%arg16 : memref<80xi32, #tpu.memory_space<vmem>>)
        %dma_start3A_227 = arith.constant 0 : i32
        %dma_start3A_228 = arith.constant 0 : i32
        %dma_start3A_229 = tpu.memref_slice %arg4[%dma_start3A_227, %dma_start3A_228] : memref<10000x128xf32, #tpu.memory_space<hbm>> -> memref<10000x128xf32, #tpu.memory_space<hbm>>
        tpu.enqueue_indirect_dma source(%dma_start3A_229 : memref<10000x128xf32, #tpu.memory_space<hbm>>) target(%arg20 : memref<80x128xf32, #tpu.memory_space<vmem>>) offsets(%arg12 : memref<80xi32, #tpu.memory_space<vmem>>) semaphore(%arg32 : memref<!tpu.dma_semaphore, #tpu.memory_space<semaphore_mem>>)
        %dma_start3A_230 = arith.constant 0 : i32
        %dma_start3A_231 = tpu.memref_slice %arg5[%dma_start3A_230] : memref<10000xf32, #tpu.memory_space<hbm>> -> memref<10000xf32, #tpu.memory_space<hbm>>
        tpu.enqueue_indirect_dma source(%dma_start3A_231 : memref<10000xf32, #tpu.memory_space<hbm>>) target(%arg24 : memref<80xf32, #tpu.memory_space<vmem>>) offsets(%arg16 : memref<80xi32, #tpu.memory_space<vmem>>) semaphore(%arg32 : memref<!tpu.dma_semaphore, #tpu.memory_space<semaphore_mem>>)
      } else {
      }
      %add3A_178 = arith.constant 3 : i32
      %add3A_179 = arith.addi %add3A_155, %add3A_178 : i32
      %le3A_180 = arith.constant 124 : i32
      %le3A_181 = arith.cmpi sle, %add3A_179, %le3A_180 : i32
      %convert_element_type3A_182 = arith.extui %le3A_181 : i1 to i32
      %cond3A_183 = arith.constant 0 : i32
      %cond3A_184 = arith.cmpi ne, %convert_element_type3A_182, %cond3A_183 : i32
      scf.if %cond3A_184 {
        %add3A_218 = arith.constant 3 : i32
        %add3A_219 = arith.addi %add3A_155, %add3A_218 : i32
        %add3A_220 = arith.addi %mul3A_2, %add3A_219 : i32
        %mul3A_221 = arith.constant 80 : i32
        %mul3A_222 = arith.muli %add3A_220, %mul3A_221 : i32
        %dma_start3A_223 = tpu.memref_slice %arg2[%mul3A_222] : memref<320000xi32, #tpu.memory_space<hbm>> -> memref<80xi32, #tpu.memory_space<hbm>>
        %dma_start3A_224 = tpu.memref_slice %arg2[%mul3A_222] : memref<320000xi32, #tpu.memory_space<hbm>> -> memref<80xi32, #tpu.memory_space<hbm>>
        tpu.enqueue_dma source(%dma_start3A_224 : memref<80xi32, #tpu.memory_space<hbm>>) target(%arg13 : memref<80xi32, #tpu.memory_space<vmem>>) target_semaphore(%arg29 : memref<!tpu.dma_semaphore, #tpu.memory_space<semaphore_mem>>)
        %dma_start3A_225 = tpu.memref_slice %arg3[%mul3A_222] : memref<320000xi32, #tpu.memory_space<hbm>> -> memref<80xi32, #tpu.memory_space<hbm>>
        %dma_start3A_226 = tpu.memref_slice %arg3[%mul3A_222] : memref<320000xi32, #tpu.memory_space<hbm>> -> memref<80xi32, #tpu.memory_space<hbm>>
        tpu.enqueue_dma source(%dma_start3A_226 : memref<80xi32, #tpu.memory_space<hbm>>) target(%arg17 : memref<80xi32, #tpu.memory_space<vmem>>) target_semaphore(%arg29 : memref<!tpu.dma_semaphore, #tpu.memory_space<semaphore_mem>>)
      } else {
      }
      %mul3A_185 = arith.constant 4 : i32
      %mul3A_186 = arith.muli %mul3A_185, %scan3A_89 : i32
      %add3A_187 = arith.constant 3 : i32
      %add3A_188 = arith.addi %mul3A_186, %add3A_187 : i32
      %dma_wait3A_189 = arith.constant 0 : i32
      %dma_wait3A_190 = arith.constant 0 : i32
      %dma_wait3A_191 = tpu.memref_slice %arg4[%dma_wait3A_189, %dma_wait3A_190] : memref<10000x128xf32, #tpu.memory_space<hbm>> -> memref<10000x128xf32, #tpu.memory_space<hbm>>
      tpu.wait_indirect_dma semaphore(%arg35 : memref<!tpu.dma_semaphore, #tpu.memory_space<semaphore_mem>>) src(%dma_wait3A_191 : memref<10000x128xf32, #tpu.memory_space<hbm>>) dst(%arg23 : memref<80x128xf32, #tpu.memory_space<vmem>>)
      %dma_wait3A_192 = arith.constant 0 : i32
      %dma_wait3A_193 = tpu.memref_slice %arg5[%dma_wait3A_192] : memref<10000xf32, #tpu.memory_space<hbm>> -> memref<10000xf32, #tpu.memory_space<hbm>>
      tpu.wait_indirect_dma semaphore(%arg35 : memref<!tpu.dma_semaphore, #tpu.memory_space<semaphore_mem>>) src(%dma_wait3A_193 : memref<10000xf32, #tpu.memory_space<hbm>>) dst(%arg27 : memref<80xf32, #tpu.memory_space<vmem>>)
      %dma_start3A_194 = arith.constant 0 : i32
      %dma_start3A_195 = arith.constant 0 : i32
      %dma_start3A_196 = tpu.memref_slice %arg10[%dma_start3A_194, %dma_start3A_195] : memref<10240x128xf32, #tpu.memory_space<vmem_shared>> -> memref<10240x128xf32, #tpu.memory_space<vmem_shared>>
      tpu.enqueue_indirect_dma source(%arg23 : memref<80x128xf32, #tpu.memory_space<vmem>>) target(%dma_start3A_196 : memref<10240x128xf32, #tpu.memory_space<vmem_shared>>) offsets(%arg19 : memref<80xi32, #tpu.memory_space<vmem>>) semaphore(%arg39 : memref<!tpu.dma_semaphore, #tpu.memory_space<semaphore_mem>>) {add = true}
      %dma_start3A_197 = arith.constant 0 : i32
      %dma_start3A_198 = tpu.memref_slice %arg11[%dma_start3A_197] : memref<10240xf32, #tpu.memory_space<vmem_shared>> -> memref<10240xf32, #tpu.memory_space<vmem_shared>>
      tpu.enqueue_indirect_dma source(%arg27 : memref<80xf32, #tpu.memory_space<vmem>>) target(%dma_start3A_198 : memref<10240xf32, #tpu.memory_space<vmem_shared>>) offsets(%arg15 : memref<80xi32, #tpu.memory_space<vmem>>) semaphore(%arg39 : memref<!tpu.dma_semaphore, #tpu.memory_space<semaphore_mem>>) {add = true}
      %ge3A_199 = arith.constant 1 : i32
      %ge3A_200 = arith.cmpi sge, %add3A_188, %ge3A_199 : i32
      %convert_element_type3A_201 = arith.extui %ge3A_200 : i1 to i32
      %cond3A_202 = arith.constant 0 : i32
      %cond3A_203 = arith.cmpi ne, %convert_element_type3A_201, %cond3A_202 : i32
      scf.if %cond3A_203 {
        %dma_wait3A_218 = arith.constant 0 : i32
        %dma_wait3A_219 = arith.constant 0 : i32
        %dma_wait3A_220 = tpu.memref_slice %arg10[%dma_wait3A_218, %dma_wait3A_219] : memref<10240x128xf32, #tpu.memory_space<vmem_shared>> -> memref<10240x128xf32, #tpu.memory_space<vmem_shared>>
        tpu.wait_indirect_dma semaphore(%arg38 : memref<!tpu.dma_semaphore, #tpu.memory_space<semaphore_mem>>) src(%arg22 : memref<80x128xf32, #tpu.memory_space<vmem>>) dst(%dma_wait3A_220 : memref<10240x128xf32, #tpu.memory_space<vmem_shared>>)
        %dma_wait3A_221 = arith.constant 0 : i32
        %dma_wait3A_222 = tpu.memref_slice %arg11[%dma_wait3A_221] : memref<10240xf32, #tpu.memory_space<vmem_shared>> -> memref<10240xf32, #tpu.memory_space<vmem_shared>>
        tpu.wait_indirect_dma semaphore(%arg38 : memref<!tpu.dma_semaphore, #tpu.memory_space<semaphore_mem>>) src(%arg26 : memref<80xf32, #tpu.memory_space<vmem>>) dst(%dma_wait3A_222 : memref<10240xf32, #tpu.memory_space<vmem_shared>>)
      } else {
      }
      %add3A_204 = arith.constant 2 : i32
      %add3A_205 = arith.addi %add3A_188, %add3A_204 : i32
      %le3A_206 = arith.constant 124 : i32
      %le3A_207 = arith.cmpi sle, %add3A_205, %le3A_206 : i32
      %convert_element_type3A_208 = arith.extui %le3A_207 : i1 to i32
      %cond3A_209 = arith.constant 0 : i32
      %cond3A_210 = arith.cmpi ne, %convert_element_type3A_208, %cond3A_209 : i32
      scf.if %cond3A_210 {
        %add3A_218 = arith.constant 2 : i32
        %add3A_219 = arith.addi %add3A_188, %add3A_218 : i32
        %add3A_220 = arith.addi %mul3A_2, %add3A_219 : i32
        %mul3A_221 = arith.constant 80 : i32
        %mul3A_222 = arith.muli %add3A_220, %mul3A_221 : i32
        %dma_wait3A_223 = tpu.memref_slice %arg2[%mul3A_222] : memref<320000xi32, #tpu.memory_space<hbm>> -> memref<80xi32, #tpu.memory_space<hbm>>
        %dma_wait3A_224 = tpu.memref_slice %arg2[%mul3A_222] : memref<320000xi32, #tpu.memory_space<hbm>> -> memref<80xi32, #tpu.memory_space<hbm>>
        tpu.wait_dma2 semaphore(%arg29 : memref<!tpu.dma_semaphore, #tpu.memory_space<semaphore_mem>>) src(%dma_wait3A_224 : memref<80xi32, #tpu.memory_space<hbm>>) dst(%arg13 : memref<80xi32, #tpu.memory_space<vmem>>)
        %dma_wait3A_225 = tpu.memref_slice %arg3[%mul3A_222] : memref<320000xi32, #tpu.memory_space<hbm>> -> memref<80xi32, #tpu.memory_space<hbm>>
        %dma_wait3A_226 = tpu.memref_slice %arg3[%mul3A_222] : memref<320000xi32, #tpu.memory_space<hbm>> -> memref<80xi32, #tpu.memory_space<hbm>>
        tpu.wait_dma2 semaphore(%arg29 : memref<!tpu.dma_semaphore, #tpu.memory_space<semaphore_mem>>) src(%dma_wait3A_226 : memref<80xi32, #tpu.memory_space<hbm>>) dst(%arg17 : memref<80xi32, #tpu.memory_space<vmem>>)
        %dma_start3A_227 = arith.constant 0 : i32
        %dma_start3A_228 = arith.constant 0 : i32
        %dma_start3A_229 = tpu.memref_slice %arg4[%dma_start3A_227, %dma_start3A_228] : memref<10000x128xf32, #tpu.memory_space<hbm>> -> memref<10000x128xf32, #tpu.memory_space<hbm>>
        tpu.enqueue_indirect_dma source(%dma_start3A_229 : memref<10000x128xf32, #tpu.memory_space<hbm>>) target(%arg21 : memref<80x128xf32, #tpu.memory_space<vmem>>) offsets(%arg13 : memref<80xi32, #tpu.memory_space<vmem>>) semaphore(%arg33 : memref<!tpu.dma_semaphore, #tpu.memory_space<semaphore_mem>>)
        %dma_start3A_230 = arith.constant 0 : i32
        %dma_start3A_231 = tpu.memref_slice %arg5[%dma_start3A_230] : memref<10000xf32, #tpu.memory_space<hbm>> -> memref<10000xf32, #tpu.memory_space<hbm>>
        tpu.enqueue_indirect_dma source(%dma_start3A_231 : memref<10000xf32, #tpu.memory_space<hbm>>) target(%arg25 : memref<80xf32, #tpu.memory_space<vmem>>) offsets(%arg17 : memref<80xi32, #tpu.memory_space<vmem>>) semaphore(%arg33 : memref<!tpu.dma_semaphore, #tpu.memory_space<semaphore_mem>>)
      } else {
      }
      %add3A_211 = arith.constant 3 : i32
      %add3A_212 = arith.addi %add3A_188, %add3A_211 : i32
      %le3A_213 = arith.constant 124 : i32
      %le3A_214 = arith.cmpi sle, %add3A_212, %le3A_213 : i32
      %convert_element_type3A_215 = arith.extui %le3A_214 : i1 to i32
      %cond3A_216 = arith.constant 0 : i32
      %cond3A_217 = arith.cmpi ne, %convert_element_type3A_215, %cond3A_216 : i32
      scf.if %cond3A_217 {
        %add3A_218 = arith.constant 3 : i32
        %add3A_219 = arith.addi %add3A_188, %add3A_218 : i32
        %add3A_220 = arith.addi %mul3A_2, %add3A_219 : i32
        %mul3A_221 = arith.constant 80 : i32
        %mul3A_222 = arith.muli %add3A_220, %mul3A_221 : i32
        %dma_start3A_223 = tpu.memref_slice %arg2[%mul3A_222] : memref<320000xi32, #tpu.memory_space<hbm>> -> memref<80xi32, #tpu.memory_space<hbm>>
        %dma_start3A_224 = tpu.memref_slice %arg2[%mul3A_222] : memref<320000xi32, #tpu.memory_space<hbm>> -> memref<80xi32, #tpu.memory_space<hbm>>
        tpu.enqueue_dma source(%dma_start3A_224 : memref<80xi32, #tpu.memory_space<hbm>>) target(%arg14 : memref<80xi32, #tpu.memory_space<vmem>>) target_semaphore(%arg30 : memref<!tpu.dma_semaphore, #tpu.memory_space<semaphore_mem>>)
        %dma_start3A_225 = tpu.memref_slice %arg3[%mul3A_222] : memref<320000xi32, #tpu.memory_space<hbm>> -> memref<80xi32, #tpu.memory_space<hbm>>
        %dma_start3A_226 = tpu.memref_slice %arg3[%mul3A_222] : memref<320000xi32, #tpu.memory_space<hbm>> -> memref<80xi32, #tpu.memory_space<hbm>>
        tpu.enqueue_dma source(%dma_start3A_226 : memref<80xi32, #tpu.memory_space<hbm>>) target(%arg18 : memref<80xi32, #tpu.memory_space<vmem>>) target_semaphore(%arg30 : memref<!tpu.dma_semaphore, #tpu.memory_space<semaphore_mem>>)
      } else {
      }
    }
    %scan3A_59 = arith.constant 31 : i32
    %dma_wait3A_60 = arith.constant 0 : i32
    %dma_wait3A_61 = arith.constant 0 : i32
    %dma_wait3A_62 = tpu.memref_slice %arg4[%dma_wait3A_60, %dma_wait3A_61] : memref<10000x128xf32, #tpu.memory_space<hbm>> -> memref<10000x128xf32, #tpu.memory_space<hbm>>
    tpu.wait_indirect_dma semaphore(%arg32 : memref<!tpu.dma_semaphore, #tpu.memory_space<semaphore_mem>>) src(%dma_wait3A_62 : memref<10000x128xf32, #tpu.memory_space<hbm>>) dst(%arg20 : memref<80x128xf32, #tpu.memory_space<vmem>>)
    %dma_wait3A_63 = arith.constant 0 : i32
    %dma_wait3A_64 = tpu.memref_slice %arg5[%dma_wait3A_63] : memref<10000xf32, #tpu.memory_space<hbm>> -> memref<10000xf32, #tpu.memory_space<hbm>>
    tpu.wait_indirect_dma semaphore(%arg32 : memref<!tpu.dma_semaphore, #tpu.memory_space<semaphore_mem>>) src(%dma_wait3A_64 : memref<10000xf32, #tpu.memory_space<hbm>>) dst(%arg24 : memref<80xf32, #tpu.memory_space<vmem>>)
    %dma_start3A_65 = arith.constant 0 : i32
    %dma_start3A_66 = arith.constant 0 : i32
    %dma_start3A_67 = tpu.memref_slice %arg10[%dma_start3A_65, %dma_start3A_66] : memref<10240x128xf32, #tpu.memory_space<vmem_shared>> -> memref<10240x128xf32, #tpu.memory_space<vmem_shared>>
    tpu.enqueue_indirect_dma source(%arg20 : memref<80x128xf32, #tpu.memory_space<vmem>>) target(%dma_start3A_67 : memref<10240x128xf32, #tpu.memory_space<vmem_shared>>) offsets(%arg16 : memref<80xi32, #tpu.memory_space<vmem>>) semaphore(%arg36 : memref<!tpu.dma_semaphore, #tpu.memory_space<semaphore_mem>>) {add = true}
    %dma_start3A_68 = arith.constant 0 : i32
    %dma_start3A_69 = tpu.memref_slice %arg11[%dma_start3A_68] : memref<10240xf32, #tpu.memory_space<vmem_shared>> -> memref<10240xf32, #tpu.memory_space<vmem_shared>>
    tpu.enqueue_indirect_dma source(%arg24 : memref<80xf32, #tpu.memory_space<vmem>>) target(%dma_start3A_69 : memref<10240xf32, #tpu.memory_space<vmem_shared>>) offsets(%arg12 : memref<80xi32, #tpu.memory_space<vmem>>) semaphore(%arg36 : memref<!tpu.dma_semaphore, #tpu.memory_space<semaphore_mem>>) {add = true}
    %dma_wait3A_70 = arith.constant 0 : i32
    %dma_wait3A_71 = arith.constant 0 : i32
    %dma_wait3A_72 = tpu.memref_slice %arg10[%dma_wait3A_70, %dma_wait3A_71] : memref<10240x128xf32, #tpu.memory_space<vmem_shared>> -> memref<10240x128xf32, #tpu.memory_space<vmem_shared>>
    tpu.wait_indirect_dma semaphore(%arg39 : memref<!tpu.dma_semaphore, #tpu.memory_space<semaphore_mem>>) src(%arg23 : memref<80x128xf32, #tpu.memory_space<vmem>>) dst(%dma_wait3A_72 : memref<10240x128xf32, #tpu.memory_space<vmem_shared>>)
    %dma_wait3A_73 = arith.constant 0 : i32
    %dma_wait3A_74 = tpu.memref_slice %arg11[%dma_wait3A_73] : memref<10240xf32, #tpu.memory_space<vmem_shared>> -> memref<10240xf32, #tpu.memory_space<vmem_shared>>
    tpu.wait_indirect_dma semaphore(%arg39 : memref<!tpu.dma_semaphore, #tpu.memory_space<semaphore_mem>>) src(%arg27 : memref<80xf32, #tpu.memory_space<vmem>>) dst(%dma_wait3A_74 : memref<10240xf32, #tpu.memory_space<vmem_shared>>)
    %dma_wait3A_75 = arith.constant 0 : i32
    %dma_wait3A_76 = arith.constant 0 : i32
    %dma_wait3A_77 = tpu.memref_slice %arg10[%dma_wait3A_75, %dma_wait3A_76] : memref<10240x128xf32, #tpu.memory_space<vmem_shared>> -> memref<10240x128xf32, #tpu.memory_space<vmem_shared>>
    tpu.wait_indirect_dma semaphore(%arg36 : memref<!tpu.dma_semaphore, #tpu.memory_space<semaphore_mem>>) src(%arg20 : memref<80x128xf32, #tpu.memory_space<vmem>>) dst(%dma_wait3A_77 : memref<10240x128xf32, #tpu.memory_space<vmem_shared>>)
    %dma_wait3A_78 = arith.constant 0 : i32
    %dma_wait3A_79 = tpu.memref_slice %arg11[%dma_wait3A_78] : memref<10240xf32, #tpu.memory_space<vmem_shared>> -> memref<10240xf32, #tpu.memory_space<vmem_shared>>
    tpu.wait_indirect_dma semaphore(%arg36 : memref<!tpu.dma_semaphore, #tpu.memory_space<semaphore_mem>>) src(%arg24 : memref<80xf32, #tpu.memory_space<vmem>>) dst(%dma_wait3A_79 : memref<10240xf32, #tpu.memory_space<vmem_shared>>)
    %barrier3A_80 = arith.constant 0 : index
    tpu.barrier barrier_id(%barrier3A_80)
    %mul3A_81 = arith.constant 640 : i32
    %mul3A_82 = arith.muli %arg1, %mul3A_81 : i32
    %mul3A_83 = arith.constant 640 : i32
    %mul3A_84 = arith.muli %arg1, %mul3A_83 : i32
    "tpu.region"() ({
      %run_scoped3A = tpu.sem_alloc : memref<!tpu.dma_semaphore, #tpu.memory_space<semaphore_mem>>
      %dma_start3A_89 = arith.constant 0 : i32
      %dma_start3A_90 = tpu.memref_slice %arg8[%arg0, %mul3A_84, %dma_start3A_89] : memref<2x10240x128xf32, #tpu.memory_space<hbm>> -> memref<1x640x128xf32, #tpu.memory_space<hbm>>
      %dma_start3A_91 = tpu.memref_squeeze %dma_start3A_90 : memref<1x640x128xf32, #tpu.memory_space<hbm>> -> memref<640x128xf32, #tpu.memory_space<hbm>>
      %dma_start3A_92 = arith.constant 0 : i32
      %dma_start3A_93 = tpu.memref_slice %arg10[%mul3A_82, %dma_start3A_92] : memref<10240x128xf32, #tpu.memory_space<vmem_shared>> -> memref<640x128xf32, #tpu.memory_space<vmem_shared>>
      tpu.enqueue_dma source(%dma_start3A_93 : memref<640x128xf32, #tpu.memory_space<vmem_shared>>) target(%dma_start3A_91 : memref<640x128xf32, #tpu.memory_space<hbm>>) target_semaphore(%run_scoped3A : memref<!tpu.dma_semaphore, #tpu.memory_space<semaphore_mem>>)
      %dma_wait3A_94 = arith.constant 0 : i32
      %dma_wait3A_95 = tpu.memref_slice %arg8[%arg0, %mul3A_84, %dma_wait3A_94] : memref<2x10240x128xf32, #tpu.memory_space<hbm>> -> memref<1x640x128xf32, #tpu.memory_space<hbm>>
      %dma_wait3A_96 = tpu.memref_squeeze %dma_wait3A_95 : memref<1x640x128xf32, #tpu.memory_space<hbm>> -> memref<640x128xf32, #tpu.memory_space<hbm>>
      %dma_wait3A_97 = arith.constant 0 : i32
      %dma_wait3A_98 = tpu.memref_slice %arg10[%mul3A_82, %dma_wait3A_97] : memref<10240x128xf32, #tpu.memory_space<vmem_shared>> -> memref<640x128xf32, #tpu.memory_space<vmem_shared>>
      tpu.wait_dma2 semaphore(%run_scoped3A : memref<!tpu.dma_semaphore, #tpu.memory_space<semaphore_mem>>) src(%dma_wait3A_98 : memref<640x128xf32, #tpu.memory_space<vmem_shared>>) dst(%dma_wait3A_96 : memref<640x128xf32, #tpu.memory_space<hbm>>)
      tpu.yield
    }) : () -> ()
    %mul3A_85 = arith.constant 640 : i32
    %mul3A_86 = arith.muli %arg1, %mul3A_85 : i32
    %mul3A_87 = arith.constant 640 : i32
    %mul3A_88 = arith.muli %arg1, %mul3A_87 : i32
    "tpu.region"() ({
      %run_scoped3A = tpu.sem_alloc : memref<!tpu.dma_semaphore, #tpu.memory_space<semaphore_mem>>
      %dma_start3A_89 = tpu.memref_slice %arg9[%arg0, %mul3A_88] : memref<2x10240xf32, #tpu.memory_space<hbm>> -> memref<1x640xf32, #tpu.memory_space<hbm>>
      %dma_start3A_90 = tpu.memref_squeeze %dma_start3A_89 : memref<1x640xf32, #tpu.memory_space<hbm>> -> memref<640xf32, #tpu.memory_space<hbm>>
      %dma_start3A_91 = tpu.memref_slice %arg11[%mul3A_86] : memref<10240xf32, #tpu.memory_space<vmem_shared>> -> memref<640xf32, #tpu.memory_space<vmem_shared>>
      tpu.enqueue_dma source(%dma_start3A_91 : memref<640xf32, #tpu.memory_space<vmem_shared>>) target(%dma_start3A_90 : memref<640xf32, #tpu.memory_space<hbm>>) target_semaphore(%run_scoped3A : memref<!tpu.dma_semaphore, #tpu.memory_space<semaphore_mem>>)
      %dma_wait3A_92 = tpu.memref_slice %arg9[%arg0, %mul3A_88] : memref<2x10240xf32, #tpu.memory_space<hbm>> -> memref<1x640xf32, #tpu.memory_space<hbm>>
      %dma_wait3A_93 = tpu.memref_squeeze %dma_wait3A_92 : memref<1x640xf32, #tpu.memory_space<hbm>> -> memref<640xf32, #tpu.memory_space<hbm>>
      %dma_wait3A_94 = tpu.memref_slice %arg11[%mul3A_86] : memref<10240xf32, #tpu.memory_space<vmem_shared>> -> memref<640xf32, #tpu.memory_space<vmem_shared>>
      tpu.wait_dma2 semaphore(%run_scoped3A : memref<!tpu.dma_semaphore, #tpu.memory_space<semaphore_mem>>) src(%dma_wait3A_94 : memref<640xf32, #tpu.memory_space<vmem_shared>>) dst(%dma_wait3A_93 : memref<640xf32, #tpu.memory_space<hbm>>)
      tpu.yield
    }) : () -> ()
    return
  }
}

module attributes {stable_mosaic.version = 14 : i64} {
  func.func @_k2_body(%arg0: i32, %arg1: memref<1000x128xf32, #tpu.memory_space<vmem>>, %arg2: memref<128x128xf32, #tpu.memory_space<vmem>>, %arg3: memref<1x128xf32, #tpu.memory_space<vmem>>, %arg4: memref<1000x2xf32, #tpu.memory_space<vmem>>, %arg5: memref<1000x128xf32, #tpu.memory_space<vmem>>, %arg6: memref<1000x2xf32, #tpu.memory_space<vmem>>) attributes {dimension_semantics = [#tpu.dimension_semantics<arbitrary>], iteration_bounds = array<i64: 10>, scalar_prefetch = 0 : i64, scratch_operands = 0 : i64, tpu.core_type = #tpu.core_type<tc>, window_params = [{transform_indices = @transform_0, window_bounds = array<i64: 1000, 128>}, {pipeline_mode = #tpu.pipeline_mode<synchronous>, transform_indices = @transform_1, window_bounds = array<i64: 128, 128>}, {pipeline_mode = #tpu.pipeline_mode<synchronous>, transform_indices = @transform_2, window_bounds = array<i64: 1, 128>}, {transform_indices = @transform_3, window_bounds = array<i64: 1000, 2>}, {transform_indices = @transform_4, window_bounds = array<i64: 1000, 128>}, {transform_indices = @transform_5, window_bounds = array<i64: 1000, 2>}]} {
    %get3A = arith.constant 0 : index
    %get3A_0 = arith.constant 0 : index
    %get3A_1 = vector.load %arg1[%get3A, %get3A_0] : memref<1000x128xf32, #tpu.memory_space<vmem>>, vector<1000x128xf32>
    %get3A_2 = arith.constant 0 : index
    %get3A_3 = arith.constant 0 : index
    %get3A_4 = vector.load %arg2[%get3A_2, %get3A_3] : memref<128x128xf32, #tpu.memory_space<vmem>>, vector<128x128xf32>
    %dot_general3A = arith.constant dense<0.000000e+00> : vector<1000x128xf32>
    %dot_general3A_5 = tpu.matmul %get3A_1, %get3A_4, %dot_general3A {dimension_numbers = #tpu.dot_dimension_numbers<[1], [0], [0], [1], [0, 0, 1, 1], [], []>, transpose_lhs_hint = false} : vector<1000x128xf32>, vector<128x128xf32>, vector<1000x128xf32> -> vector<1000x128xf32>
    %get3A_6 = arith.constant 0 : index
    %get3A_7 = arith.constant 0 : index
    %get3A_8 = vector.load %arg3[%get3A_6, %get3A_7] : memref<1x128xf32, #tpu.memory_space<vmem>>, vector<1x128xf32>
    %add3A = vector.broadcast %get3A_8 : vector<1x128xf32> to vector<1000x128xf32>
    %add3A_9 = arith.addf %dot_general3A_5, %add3A : vector<1000x128xf32>
    %tanh3A = math.tanh %add3A_9 : vector<1000x128xf32>
    %get3A_10 = arith.constant 0 : index
    %get3A_11 = arith.constant 0 : index
    %get3A_12 = vector.load %arg4[%get3A_10, %get3A_11] : memref<1000x2xf32, #tpu.memory_space<vmem>>, vector<1000x2xf32>
    %slice3A = vector.extract_strided_slice %get3A_12 {offsets = [0, 0], sizes = [1000, 1], strides = [1, 1]} : vector<1000x2xf32> to vector<1000x1xf32>
    %max3A = arith.constant 1.000000e+00 : f32
    %max3A_13 = vector.broadcast %max3A : f32 to vector<1000x1xf32>
    %max3A_14 = arith.maximumf %slice3A, %max3A_13 : vector<1000x1xf32>
    %rsqrt3A = math.rsqrt %max3A_14 : vector<1000x1xf32>
    %slice3A_15 = vector.extract_strided_slice %get3A_12 {offsets = [0, 1], sizes = [1000, 1], strides = [1, 1]} : vector<1000x2xf32> to vector<1000x1xf32>
    %max3A_16 = arith.constant 1.000000e+00 : f32
    %max3A_17 = vector.broadcast %max3A_16 : f32 to vector<1000x1xf32>
    %max3A_18 = arith.maximumf %slice3A_15, %max3A_17 : vector<1000x1xf32>
    %rsqrt3A_19 = math.rsqrt %max3A_18 : vector<1000x1xf32>
    %mul3A = vector.broadcast %rsqrt3A : vector<1000x1xf32> to vector<1000x128xf32>
    %mul3A_20 = arith.mulf %tanh3A, %mul3A : vector<1000x128xf32>
    %swap3A = arith.constant 0 : index
    %swap3A_21 = arith.constant 0 : index
    %swap3A_22 = vector.load %arg5[%swap3A, %swap3A_21] : memref<1000x128xf32, #tpu.memory_space<vmem>>, vector<1000x128xf32>
    tpu.vector_store %arg5[%swap3A, %swap3A_21], %mul3A_20 {strides = array<i32>} : memref<1000x128xf32, #tpu.memory_space<vmem>>, vector<1000x128xf32>,
    %concatenate3A = tpu.concatenate %rsqrt3A_19, %rsqrt3A in 1 : vector<1000x1xf32>, vector<1000x1xf32> -> vector<1000x2xf32>
    %swap3A_23 = arith.constant 0 : index
    %swap3A_24 = arith.constant 0 : index
    %swap3A_25 = vector.load %arg6[%swap3A_23, %swap3A_24] : memref<1000x2xf32, #tpu.memory_space<vmem>>, vector<1000x2xf32>
    tpu.vector_store %arg6[%swap3A_23, %swap3A_24], %concatenate3A {strides = array<i32>} : memref<1000x2xf32, #tpu.memory_space<vmem>>, vector<1000x2xf32>,
    return
  }
  func.func @transform_0(%arg0: i32) -> (i32, i32) {
    %c0_i32 = arith.constant 0 : i32
    %c0_i32_0 = arith.constant 0 : i32
    return %arg0, %c0_i32 : i32, i32
  }
  func.func @transform_1(%arg0: i32) -> (i32, i32) {
    %c0_i32 = arith.constant 0 : i32
    %c0_i32_0 = arith.constant 0 : i32
    %c0_i32_1 = arith.constant 0 : i32
    return %c0_i32, %c0_i32_0 : i32, i32
  }
  func.func @transform_2(%arg0: i32) -> (i32, i32) {
    %c0_i32 = arith.constant 0 : i32
    %c0_i32_0 = arith.constant 0 : i32
    %c0_i32_1 = arith.constant 0 : i32
    return %c0_i32, %c0_i32_0 : i32, i32
  }
  func.func @transform_3(%arg0: i32) -> (i32, i32) {
    %c0_i32 = arith.constant 0 : i32
    %c0_i32_0 = arith.constant 0 : i32
    return %arg0, %c0_i32 : i32, i32
  }
  func.func @transform_4(%arg0: i32) -> (i32, i32) {
    %c0_i32 = arith.constant 0 : i32
    %c0_i32_0 = arith.constant 0 : i32
    return %arg0, %c0_i32 : i32, i32
  }
  func.func @transform_5(%arg0: i32) -> (i32, i32) {
    %c0_i32 = arith.constant 0 : i32
    %c0_i32_0 = arith.constant 0 : i32
    return %arg0, %c0_i32 : i32, i32
  }
}

module attributes {stable_mosaic.version = 14 : i64} {
  func.func @_k4_body(%arg0: i32, %arg1: memref<2x1024x128xf32, #tpu.memory_space<vmem>>, %arg2: memref<1024x2xf32, #tpu.memory_space<vmem>>, %arg3: memref<1024x2xf32, #tpu.memory_space<vmem>>, %arg4: memref<128x128xf32, #tpu.memory_space<vmem>>, %arg5: memref<1x128xf32, #tpu.memory_space<vmem>>, %arg6: memref<128x128xf32, #tpu.memory_space<vmem>>, %arg7: memref<1x128xf32, #tpu.memory_space<vmem>>, %arg8: memref<1x128xf32, #tpu.memory_space<vmem>>, %arg9: memref<1x128xf32, #tpu.memory_space<vmem>>) attributes {dimension_semantics = [#tpu.dimension_semantics<arbitrary>], iteration_bounds = array<i64: 10>, scalar_prefetch = 0 : i64, scratch_operands = 1 : i64, tpu.core_type = #tpu.core_type<tc>, window_params = [{transform_indices = @transform_0, window_bounds = array<i64: 2, 1024, 128>}, {transform_indices = @transform_1, window_bounds = array<i64: 1024, 2>}, {transform_indices = @transform_2, window_bounds = array<i64: 1024, 2>}, {pipeline_mode = #tpu.pipeline_mode<synchronous>, transform_indices = @transform_3, window_bounds = array<i64: 128, 128>}, {pipeline_mode = #tpu.pipeline_mode<synchronous>, transform_indices = @transform_4, window_bounds = array<i64: 1, 128>}, {pipeline_mode = #tpu.pipeline_mode<synchronous>, transform_indices = @transform_5, window_bounds = array<i64: 128, 128>}, {pipeline_mode = #tpu.pipeline_mode<synchronous>, transform_indices = @transform_6, window_bounds = array<i64: 1, 128>}, {pipeline_mode = #tpu.pipeline_mode<synchronous>, transform_indices = @transform_7, window_bounds = array<i64: 1, 128>}]} {
    %eq3A = arith.constant 0 : i32
    %eq3A_0 = arith.cmpi eq, %arg0, %eq3A : i32
    %convert_element_type3A = arith.extui %eq3A_0 : i1 to i32
    %cond3A = arith.constant 0 : i32
    %cond3A_1 = arith.cmpi ne, %convert_element_type3A, %cond3A : i32
    scf.if %cond3A_1 {
      %broadcast_in_dim3A_51 = arith.constant 0.000000e+00 : f32
      %broadcast_in_dim3A_52 = vector.broadcast %broadcast_in_dim3A_51 : f32 to vector<1x128xf32>
      %swap3A_53 = arith.constant 0 : index
      %swap3A_54 = arith.constant 0 : index
      %swap3A_55 = vector.load %arg9[%swap3A_53, %swap3A_54] : memref<1x128xf32, #tpu.memory_space<vmem>>, vector<1x128xf32>
      tpu.vector_store %arg9[%swap3A_53, %swap3A_54], %broadcast_in_dim3A_52 {strides = array<i32>} : memref<1x128xf32, #tpu.memory_space<vmem>>, vector<1x128xf32>,
    } else {
    }
    %get3A = arith.constant 0 : index
    %get3A_2 = arith.constant 0 : index
    %get3A_3 = arith.constant 0 : index
    %get3A_4 = vector.load %arg1[%get3A, %get3A_2, %get3A_3] : memref<2x1024x128xf32, #tpu.memory_space<vmem>>, vector<1x1024x128xf32>
    %get3A_5 = vector.shape_cast %get3A_4 : vector<1x1024x128xf32> to vector<1024x128xf32>
    %get3A_6 = arith.constant 1 : index
    %get3A_7 = arith.constant 0 : index
    %get3A_8 = arith.constant 0 : index
    %get3A_9 = vector.load %arg1[%get3A_6, %get3A_7, %get3A_8] : memref<2x1024x128xf32, #tpu.memory_space<vmem>>, vector<1x1024x128xf32>
    %get3A_10 = vector.shape_cast %get3A_9 : vector<1x1024x128xf32> to vector<1024x128xf32>
    %add3A = arith.addf %get3A_5, %get3A_10 : vector<1024x128xf32>
    %get3A_11 = arith.constant 0 : index
    %get3A_12 = arith.constant 0 : index
    %get3A_13 = vector.load %arg3[%get3A_11, %get3A_12] : memref<1024x2xf32, #tpu.memory_space<vmem>>, vector<1024x1xf32>
    %get3A_14 = arith.constant 0 : index
    %get3A_15 = arith.constant 1 : index
    %get3A_16 = vector.load %arg3[%get3A_14, %get3A_15] : memref<1024x2xf32, #tpu.memory_space<vmem>>, vector<1024x1xf32>
    %mul3A = vector.broadcast %get3A_13 : vector<1024x1xf32> to vector<1024x128xf32>
    %mul3A_17 = arith.mulf %add3A, %mul3A : vector<1024x128xf32>
    %get3A_18 = arith.constant 0 : index
    %get3A_19 = arith.constant 0 : index
    %get3A_20 = vector.load %arg4[%get3A_18, %get3A_19] : memref<128x128xf32, #tpu.memory_space<vmem>>, vector<128x128xf32>
    %dot_general3A = arith.constant dense<0.000000e+00> : vector<1024x128xf32>
    %dot_general3A_21 = tpu.matmul %mul3A_17, %get3A_20, %dot_general3A {dimension_numbers = #tpu.dot_dimension_numbers<[1], [0], [0], [1], [0, 0, 1, 1], [], []>, transpose_lhs_hint = false} : vector<1024x128xf32>, vector<128x128xf32>, vector<1024x128xf32> -> vector<1024x128xf32>
    %get3A_22 = arith.constant 0 : index
    %get3A_23 = arith.constant 0 : index
    %get3A_24 = vector.load %arg5[%get3A_22, %get3A_23] : memref<1x128xf32, #tpu.memory_space<vmem>>, vector<1x128xf32>
    %add3A_25 = vector.broadcast %get3A_24 : vector<1x128xf32> to vector<1024x128xf32>
    %add3A_26 = arith.addf %dot_general3A_21, %add3A_25 : vector<1024x128xf32>
    %max3A = arith.constant 0.000000e+00 : f32
    %max3A_27 = vector.broadcast %max3A : f32 to vector<1024x128xf32>
    %max3A_28 = arith.maximumf %add3A_26, %max3A_27 : vector<1024x128xf32>
    %get3A_29 = arith.constant 0 : index
    %get3A_30 = arith.constant 0 : index
    %get3A_31 = vector.load %arg2[%get3A_29, %get3A_30] : memref<1024x2xf32, #tpu.memory_space<vmem>>, vector<1024x1xf32>
    %get3A_32 = arith.constant 0 : index
    %get3A_33 = arith.constant 1 : index
    %get3A_34 = vector.load %arg2[%get3A_32, %get3A_33] : memref<1024x2xf32, #tpu.memory_space<vmem>>, vector<1024x1xf32>
    %add3A_35 = arith.addf %get3A_31, %get3A_34 : vector<1024x1xf32>
    %mul3A_36 = arith.mulf %add3A_35, %get3A_16 : vector<1024x1xf32>
    %get3A_37 = arith.constant 0 : index
    %get3A_38 = arith.constant 0 : index
    %get3A_39 = vector.load %arg9[%get3A_37, %get3A_38] : memref<1x128xf32, #tpu.memory_space<vmem>>, vector<1x128xf32>
    %mul3A_40 = vector.broadcast %mul3A_36 : vector<1024x1xf32> to vector<1024x128xf32>
    %mul3A_41 = arith.mulf %mul3A_40, %max3A_28 : vector<1024x128xf32>
    %reduce_sum3A = arith.constant dense<0.000000e+00> : vector<128xf32>
    %reduce_sum3A_42 = vector.multi_reduction <add>, %mul3A_41, %reduce_sum3A [0] : vector<1024x128xf32> to vector<128xf32>
    %broadcast_in_dim3A = vector.shape_cast %reduce_sum3A_42 : vector<128xf32> to vector<1x128xf32>
    %add3A_43 = arith.addf %get3A_39, %broadcast_in_dim3A : vector<1x128xf32>
    %swap3A = arith.constant 0 : index
    %swap3A_44 = arith.constant 0 : index
    %swap3A_45 = vector.load %arg9[%swap3A, %swap3A_44] : memref<1x128xf32, #tpu.memory_space<vmem>>, vector<1x128xf32>
    tpu.vector_store %arg9[%swap3A, %swap3A_44], %add3A_43 {strides = array<i32>} : memref<1x128xf32, #tpu.memory_space<vmem>>, vector<1x128xf32>,
    %eq3A_46 = arith.constant 9 : i32
    %eq3A_47 = arith.cmpi eq, %arg0, %eq3A_46 : i32
    %convert_element_type3A_48 = arith.extui %eq3A_47 : i1 to i32
    %cond3A_49 = arith.constant 0 : i32
    %cond3A_50 = arith.cmpi ne, %convert_element_type3A_48, %cond3A_49 : i32
    scf.if %cond3A_50 {
      %get3A_51 = arith.constant 0 : index
      %get3A_52 = arith.constant 0 : index
      %get3A_53 = vector.load %arg9[%get3A_51, %get3A_52] : memref<1x128xf32, #tpu.memory_space<vmem>>, vector<1x128xf32>
      %get3A_54 = arith.constant 0 : index
      %get3A_55 = arith.constant 0 : index
      %get3A_56 = vector.load %arg6[%get3A_54, %get3A_55] : memref<128x128xf32, #tpu.memory_space<vmem>>, vector<128x128xf32>
      %dot_general3A_57 = arith.constant dense<0.000000e+00> : vector<1x128xf32>
      %dot_general3A_58 = tpu.matmul %get3A_53, %get3A_56, %dot_general3A_57 {dimension_numbers = #tpu.dot_dimension_numbers<[1], [0], [0], [1], [0, 0, 1, 1], [], []>, transpose_lhs_hint = false} : vector<1x128xf32>, vector<128x128xf32>, vector<1x128xf32> -> vector<1x128xf32>
      %get3A_59 = arith.constant 0 : index
      %get3A_60 = arith.constant 0 : index
      %get3A_61 = vector.load %arg7[%get3A_59, %get3A_60] : memref<1x128xf32, #tpu.memory_space<vmem>>, vector<1x128xf32>
      %mul3A_62 = arith.constant 1.000000e+04 : f32
      %mul3A_63 = vector.broadcast %mul3A_62 : f32 to vector<1x128xf32>
      %mul3A_64 = arith.mulf %mul3A_63, %get3A_61 : vector<1x128xf32>
      %add3A_65 = arith.addf %dot_general3A_58, %mul3A_64 : vector<1x128xf32>
      %swap3A_66 = arith.constant 0 : index
      %swap3A_67 = arith.constant 0 : index
      %swap3A_68 = vector.load %arg8[%swap3A_66, %swap3A_67] : memref<1x128xf32, #tpu.memory_space<vmem>>, vector<1x128xf32>
      tpu.vector_store %arg8[%swap3A_66, %swap3A_67], %add3A_65 {strides = array<i32>} : memref<1x128xf32, #tpu.memory_space<vmem>>, vector<1x128xf32>,
    } else {
    }
    return
  }
  func.func @transform_0(%arg0: i32) -> (i32, i32, i32) {
    %c0_i32 = arith.constant 0 : i32
    %c0_i32_0 = arith.constant 0 : i32
    %c0_i32_1 = arith.constant 0 : i32
    return %c0_i32, %arg0, %c0_i32_0 : i32, i32, i32
  }
  func.func @transform_1(%arg0: i32) -> (i32, i32) {
    %c0_i32 = arith.constant 0 : i32
    %c0_i32_0 = arith.constant 0 : i32
    return %arg0, %c0_i32 : i32, i32
  }
  func.func @transform_2(%arg0: i32) -> (i32, i32) {
    %c0_i32 = arith.constant 0 : i32
    %c0_i32_0 = arith.constant 0 : i32
    return %arg0, %c0_i32 : i32, i32
  }
  func.func @transform_3(%arg0: i32) -> (i32, i32) {
    %c0_i32 = arith.constant 0 : i32
    %c0_i32_0 = arith.constant 0 : i32
    %c0_i32_1 = arith.constant 0 : i32
    return %c0_i32, %c0_i32_0 : i32, i32
  }
  func.func @transform_4(%arg0: i32) -> (i32, i32) {
    %c0_i32 = arith.constant 0 : i32
    %c0_i32_0 = arith.constant 0 : i32
    %c0_i32_1 = arith.constant 0 : i32
    return %c0_i32, %c0_i32_0 : i32, i32
  }
  func.func @transform_5(%arg0: i32) -> (i32, i32) {
    %c0_i32 = arith.constant 0 : i32
    %c0_i32_0 = arith.constant 0 : i32
    %c0_i32_1 = arith.constant 0 : i32
    return %c0_i32, %c0_i32_0 : i32, i32
  }
  func.func @transform_6(%arg0: i32) -> (i32, i32) {
    %c0_i32 = arith.constant 0 : i32
    %c0_i32_0 = arith.constant 0 : i32
    %c0_i32_1 = arith.constant 0 : i32
    return %c0_i32, %c0_i32_0 : i32, i32
  }
  func.func @transform_7(%arg0: i32) -> (i32, i32) {
    %c0_i32 = arith.constant 0 : i32
    %c0_i32_0 = arith.constant 0 : i32
    %c0_i32_1 = arith.constant 0 : i32
    return %c0_i32, %c0_i32_0 : i32, i32
  }
}

</mosaic_0001>

<sc_bundles>
// kernel: kernel.6.cloned.1.call-start
scs
__scs_entry_jumppad:
0x0: {  	(pc) =	sbr.rel $0x88, $3  }
0x1: {  	(tag) =	ssettag $0x0;
	lr =	simm.s32 $0x1  }
0x2: {  	[smem:$0x3F99] =	sst lr;
	_ =	strace $0xD0000000  }
0x3: {  	_ = 	snop  }
0x4: {  	_ = 	snop  }
0x5: {  	_ = 	snop  }
0x6: {  	_ = 	snop  }
0x7: {  	_ = 	snop  }
__scs_overlays_trampoline_lowered:
0x8: {  	[smem:$0x3FA8] =	sst s0  }
0x9: {  	[smem:$0x3FA9] =	sst s1  }
0xa: {  	[smem:$0x3FAA] =	sst s2  }
0xb: {  	[smem:$0x3FAB] =	sst s3  }
0xc: {  	[smem:$0x3FAC] =	sst s4  }
0xd: {  	[smem:$0x3FAD] =	sst s5  }
0xe: {  	[smem:$0x3FAE] =	sst s6  }
0xf: {  	[smem:$0x3FAF] =	sst s7  }
0x10: {  	[smem:$0x3FB0] =	sst s8  }
0x11: {  	[smem:$0x3FB1] =	sst s9;
	s0 =	simm.s32 @!p0 $0x0  }
0x12: {  	s1 =	sld [smem:$0x3F97];
	s0 =	simm.s32 @p0 $0x1  }
0x13: {  	[smem:$0x3FB2] =	sst s0;
	s0 =	simm.s32 @!p1 $0x0  }
0x14: {  	s2 =	sld [smem:$0x3F96];
	s0 =	simm.s32 @p1 $0x1  }
0x15: {  	[smem:$0x3FB3] =	sst s0;
	s0 =	simm.s32 @!p2 $0x0  }
0x16: {  	s3 =	sld [smem:$0x3FDB];
	s0 =	simm.s32 @p2 $0x1  }
0x17: {  	s4 =	simm.s32 $0x1BF5;
	[smem:$0x3FB5] =	sst s0  }
0x18: {  	s0 =	sld [smem:$0x3F98];
	_ =	swait.ge [sflag:s4], $0x0  }
0x19: {  	s7 =	sld [smem:$0x3F99]  }
0x1a: {  	s8 =	sadd.s32 $0xFFFFE003, lr  }
0x1b: {  	s9 =	sadd.s32 $0xFFFFFEF7, lr;
	s5 =	simm.s32 $0xFFFFFFFF;
	p2 =	slt.u32 s8, $0xFFFFF086  }
0x1c: {  	p1 =	slt.u32 s9, $0xF7A;
	s5 =	simm.s32 @!p2 $0x0  }
0x1d: {  	s5 =	simm.s32 @p1 $0x1;
	p0 =	seq.s32 s7, s2  }
0x1e: {  	s7 =	smul.u32 @!p0 $0xF7A, s2;
	p2 =	seq.s32 @!p0 s5, $0x0  }
0x1f: {  	s9 =	smul.u32 $0xF7A, s1;
	s8 =	simm.s32 @!p0 $0x1BF5;
	p2 =	por !p2, p0  }
0x20: {  	[sflag:s8] =	ssyncset.s32 @!p0 $0xFFFFF086;
	s6 =	sadd.s32 @!p0 s3, s7;
	s7 =	simm.s32 @!p0 $0x108  }
0x21: {  	s3 =	sadd.s32 s3, s9;
	s6 =	sadd.s32 @!p0 $0x88, s6;
	s7 =	simm.s32 @p2 $0x1082  }
0x22: {  	[simem:s7], [sflag:s8] =	dma.local @!p0 [hbm:s6], $0xF7A  }
0x23: {  	s9 =	sor.u32 $0xD0000000, s2;
	s6 =	simm.s32 $0x108;
	_ =	swait.ge @!p0 [sflag:s8], $0x0  }
0x24: {  	s3 =	sadd.s32 $0x88, s3;
	s6 =	simm.s32 @!p1 $0x1082;
	[sflag:s4] =	ssyncset.s32 $0xFFFFF086  }
0x25: {  	[simem:s6], [sflag:s4] =	dma.local [hbm:s3], $0xF7A  }
0x26: {  	[smem:$0x3F99] =	sst s1;
	(tag) =	ssettag s2;
	_ =	strace s9  }
0x27: {  	s1 =	sld [smem:$0x3FA9]  }
0x28: {  	s2 =	sld [smem:$0x3FAA]  }
0x29: {  	s4 =	sld [smem:$0x3FAC]  }
0x2a: {  	p0 =	seq.s32 s5, $0x0;
	s5 =	sld [smem:$0x3FAD]  }
0x2b: {  	s6 =	sld [smem:$0x3FAE]  }
0x2c: {  	s7 =	sld [smem:$0x3FAF]  }
0x2d: {  	s3 =	simm.s32 $0x108;
	s8 =	sld [smem:$0x3FB0]  }
0x2e: {  	s3 =	simm.s32 @!p0 $0x1082;
	s9 =	sld [smem:$0x3FB1]  }
0x2f: {  	lr =	sadd.s32 s0, s3;
	s0 =	sld [smem:$0x3FA8]  }
0x30: {  	s3 =	sld [smem:$0x3FAB]  }
0x31: {  	[smem:$0x3FB4] =	sst s10  }
0x32: {  	s10 =	sld [smem:$0x3FB2];
	_ =	sdelay $0x3  }
0x33: {  	p0 =	seq.s32 s10, $0x1;
	s10 =	sld [smem:$0x3FB4];
	_ =	sdelay $0x3  }
0x34: {  	[smem:$0x3FB4] =	sst s10  }
0x35: {  	s10 =	sld [smem:$0x3FB3];
	_ =	sdelay $0x3  }
0x36: {  	p1 =	seq.s32 s10, $0x1;
	s10 =	sld [smem:$0x3FB4];
	_ =	sdelay $0x3  }
0x37: {  	[smem:$0x3FB4] =	sst s10  }
0x38: {  	s10 =	sld [smem:$0x3FB5]  }
0x39: {  	_ = 	snop;
	(pc) =	sbr.ind lr, $3  }
0x3a: {  	_ = 	snop  }
0x3b: {  	_ = 	snop  }
0x3c: {  	p2 =	seq.s32 s10, $0x1;
	s10 =	sld [smem:$0x3FB4]  }
0x3d: {  	_ =	shalt  }
0x3e: {  	_ =	shalt  }
0x3f: {  	_ =	shalt  }
0x40: {  	_ =	shalt  }
0x41: {  	_ =	shalt  }
0x42: {  	_ =	shalt  }
0x43: {  	_ =	shalt  }
0x44: {  	_ =	shalt  }
0x45: {  	_ =	shalt  }
0x46: {  	_ =	shalt  }
0x47: {  	_ =	shalt  }
0x48: {  	_ =	shalt  }
0x49: {  	_ =	shalt  }
0x4a: {  	_ =	shalt  }
0x4b: {  	_ =	shalt  }
0x4c: {  	_ =	shalt  }
0x4d: {  	_ =	shalt  }
0x4e: {  	_ =	shalt  }
0x4f: {  	_ =	shalt  }
0x50: {  	_ =	shalt  }
0x51: {  	_ =	shalt  }
0x52: {  	_ =	shalt  }
0x53: {  	_ =	shalt  }
0x54: {  	_ =	shalt  }
0x55: {  	_ =	shalt  }
0x56: {  	_ =	shalt  }
0x57: {  	_ =	shalt  }
0x58: {  	_ =	shalt  }
0x59: {  	_ =	shalt  }
0x5a: {  	_ =	shalt  }
0x5b: {  	_ =	shalt  }
0x5c: {  	_ =	shalt  }
0x5d: {  	_ =	shalt  }
0x5e: {  	_ =	shalt  }
0x5f: {  	_ =	shalt  }
0x60: {  	_ =	shalt  }
0x61: {  	_ =	shalt  }
0x62: {  	_ =	shalt  }
0x63: {  	_ =	shalt  }
0x64: {  	_ =	shalt  }
0x65: {  	_ =	shalt  }
0x66: {  	_ =	shalt  }
0x67: {  	_ =	shalt  }
0x68: {  	_ =	shalt  }
0x69: {  	_ =	shalt  }
0x6a: {  	_ =	shalt  }
0x6b: {  	_ =	shalt  }
0x6c: {  	_ =	shalt  }
0x6d: {  	_ =	shalt  }
0x6e: {  	_ =	shalt  }
0x6f: {  	_ =	shalt  }
0x70: {  	_ =	shalt  }
0x71: {  	_ =	shalt  }
0x72: {  	_ =	shalt  }
0x73: {  	_ =	shalt  }
0x74: {  	_ =	shalt  }
0x75: {  	_ =	shalt  }
0x76: {  	_ =	shalt  }
0x77: {  	_ =	shalt  }
0x78: {  	_ =	shalt  }
0x79: {  	_ =	shalt  }
0x7a: {  	_ =	shalt  }
0x7b: {  	_ =	shalt  }
0x7c: {  	_ =	shalt  }
0x7d: {  	_ =	shalt  }
0x7e: {  	_ =	shalt  }
0x7f: {  	_ =	shalt  }
0x80: {  	_ =	shalt  }
0x81: {  	_ =	shalt  }
0x82: {  	_ =	shalt  }
0x83: {  	_ =	shalt  }
0x84: {  	_ =	shalt  }
0x85: {  	_ =	shalt  }
0x86: {  	_ =	shalt  }
0x87: {  	_ =	shalt  }
.Lfunc_end0:
.L_simem_size_0:
called_computation_lowered:
.L_overlay_start_0:
0x88: {  	s2 =	sld [smem:$0x3FD9]  }
0x89: {  	s3 =	sld [smem:$0x3FFE];
	_ =	sdelay $0x1  }
0x8a: {  	s1 =	srdreg.scid  }
0x8b: {  	s0 =	sand.u32 $0x1, s1  }
0x8c: {  	s17 =	sshll.u32 s0, $0xA;
	s2 =	sadd.s32 s3, s2  }
0x8d: {  	s2 =	sadd.s32 s2, s17  }
0x8e: {  	[smem:$0x3FC0] =	sst s2  }
0x8f: {  	_ = 	snop  }
0x90: {  	s2 =	sld [smem:$0x3FD0];
	(tm) =	ssettm $0x1  }
0x91: {  	s18 =	sld [smem:$0x3FFB];
	_ =	sdelay $0x3  }
0x92: {  	_ =	strace s18  }
0x93: {  	s3 =	sld [smem:$0x3FFC];
	_ =	sdelay $0x3  }
0x94: {  	_ =	strace s3  }
0x95: {  	s3 =	sld [smem:$0x3FFD];
	_ =	sdelay $0x3  }
0x96: {  	_ =	strace s3  }
0x97: {  	_ =	strace $0x8FFFFFFF  }
0x98: {  	s19 =	sld [smem:$0x3FDB];
	_ =	sdelay $0x1  }
0x99: {  	s4 =	simm.s32 $_scs_section_size  }
0x9a: {  	s5 =	simm.s32 $_size__tile_overlayer_lowered;
	s6 =	simm.s32 $_tile_overlayer_lowered  }
0x9b: {  	s22 =	simm.s32 $0x1BFF;
	s21 =	sshll.u32 s6, $0x1;
	s3 =	sadd.s32 s4, s19  }
0x9c: {  	s7 =	simm.s32 $0x0;
	s20 =	sshll.u32 s5, $0x1;
	s5 =	sadd.s32 s21, s3  }
0x9d: {  	[timem:s7], [sflag:s22] =	dma.local [hbm:s5], s20  }
0x9e: {  	_ =	swait.ge [sflag:s22], s20  }
0x9f: {  	s4 =	ssub.s32 $0x0, s20;
	[sflag:s22] =	ssyncset.done $0x0  }
0xa0: {  	[sflag:s22] =	ssyncadd.s32 s4;
	_ =	sdelay $0x1  }
0xa1: {  	s23 =	simm.s32 $0x1B8B  }
0xa2: {  	_ =	swait.ge [sflag:s23], $0x1  }
0xa3: {  	[sflag:s23] =	ssyncset.done $0x0  }
0xa4: {  	s25 =	simm.s32 $0x1B8E;
	s24 =	sld [smem:$0x3FFE];
	[sflag:s23] =	ssyncadd.s32 $0xFFFFFFFF  }
0xa5: {  	s26 =	simm.s32 $execute0_lowered;
	[smem:$0x3FD2] =	sst s25  }
0xa6: {  	s5 =	sshll.u32 s26, $0x1;
	_ =	strace $0x80000046;
	[dreg:$0x1] =	wrdreg $0xFFFFFFFF  }
0xa7: {  	s28 =	simm.s32 $_size_execute0_lowered;
	s3 =	sadd.s32 s3, s5;
	[dreg:$0x0] =	wrdreg $0x0  }
0xa8: {  	s5 =	sshll.u32 s28, $0x1;
	[dreg:$0x2] =	wrdreg s3  }
0xa9: {  	[dreg:$0x3] =	wrdreg s5  }
0xaa: {  	[dreg:$0x4] =	wrdreg $0xC0  }
0xab: {  	_ =	task [dreg:s7], $0x5FFFF  }
0xac: {  	[dreg:$0x1] =	wrdreg $0xFFFFFFFF  }
0xad: {  	[dreg:$0x0] =	wrdreg $0x60  }
0xae: {  	[dreg:$0x2] =	wrdreg s24  }
0xaf: {  	[dreg:$0x3] =	wrdreg s2  }
0xb0: {  	[dreg:$0x4] =	wrdreg $0x0  }
0xb1: {  	[dreg:$0x5] =	wrdreg $0x9  }
0xb2: {  	_ =	task.clear_ibuf [dreg:s7], $0x6FFFF;
	_ =	strace $0x90000046  }
0xb3: {  	s29 =	simm.s32 $0x9;
	_ =	strace $0x80000048  }
0xb4: {  	_ =	swait.ge [sflag:s29], $0x1  }
0xb5: {  	[sflag:s29] =	ssyncadd.s32 $0xFFFFFFFF  }
0xb6: {  	_ =	strace $0x90000048  }
0xb7: {  	_ =	sfence  }
0xb8: {  	s30 =	sld [smem:$0x0];
	_ =	sdelay $0x2  }
0xb9: {  	s31 =	sshll.u32 s1, $0xD;
	s1 =	sshrl.u32 s1, $0x2  }
0xba: {  	s3 =	sand.u32 $0x4000, s31;
	s1 =	sadd.s32 s1, s30  }
0xbb: {  	s0 =	sor.u32 s3, s0;
	s1 =	sshll.u32 s1, $0x11  }
0xbc: {  	s0 =	sor.u32 s1, s0  }
0xbd: {  	s0 =	sadd.s32 $0x8F2B, s0  }
0xbe: {  	[sflag:s0] =	ssyncadd.remote.s32 $0x1  }
0xbf: {  	_ =	sfence.sel $0xFFFF  }
0xc0: {  	[dreg:$0x0] =	wrdreg $0xFFFFFFFF;
	(pc) =	sbr.abs _section_cstart, $3  }
0xc1: {  	[dreg:$0x1] =	wrdreg $0xFFFFFFFF  }
0xc2: {  	_ =	task.clear_ibuf [dreg:s7], $0x2FFFF;
	_ =	strace $0x9FFFFFFF  }
0xc3: {  	(tm) =	ssettm $0x7FFFFFFF  }
tec
execute0_lowered:
.L_overlay_start_1:
0x0: {  	(tag) =	ssettag $0x1  }
0x1: {  	s7 =	rddreg [dreg:$0x0]  }
0x2: {  	s2 =	rddreg [dreg:$0x1]  }
0x3: {  	s3 =	rddreg [dreg:$0x2]  }
0x4: {  	s0 =	rddreg [dreg:$0x3]  }
0x5: {  	s5 =	srdreg.scid;
	s1 =	stileid.u32;
	s4 =	simm.s32 $0x0  }
0x6: {  	s14 =	simm.s32 $0x7D;
	s15 =	simm.s32 $0x300;
	s16 =	simm.s32 $0x380  }
0x7: {  	s17 =	simm.s32 $0x400;
	s18 =	simm.s32 $0x1;
	s19 =	simm.s32 $0x2  }
0x8: {  	s20 =	simm.s32 $0x3;
	s21 =	simm.s32 $0x4;
	s22 =	simm.s32 $0x20  }
0x9: {  	s23 =	simm.s32 $0x10;
	s24 =	simm.s32 $0x0;
	s6 =	sand.u32 $0x1, s5  }
0xa: {  	s30 =	smul.u32 $0x500, s1;
	[smem:$0x7FF] =	sst s4;
	s5 =	sadd.s32 $0x29800, s7  }
0xb: {  	s11 =	smul.u32 $0xA00, s1;
	s12 =	sshll.u32 s1, $0x6;
	s8 =	sshll.u32 s6, $0x7  }
0xc: {  	_ =	strace $0x80000047;
	s9 =	ssub.s32 $0x2, s6;
	p0 =	seq.s32 s6, $0x1  }
0xd: {  	s6 =	sor.u32 $0x1C05, s12;
	s12 =	simm.s32 $0x5280;
	s10 =	sshrl.u32 s9, $0x1  }
0xe: {  	s8 =	sor.u32 s8, s30;
	s9 =	ssub.s32 s9, s10;
	s10 =	simm.s32 $0x15800  }
0xf: {  	s31 =	sshrl.u32 s11, $0x2;
	s8 =	sshrl.u32 s8, $0x3;
	s10 =	simm.s32 @!p0 $0x1F800  }
0x10: {  	s13 =	sadd.s32 s31, s3;
	s8 =	sadd.s32 s8, s7;
	s10 =	sadd.s32 s10, s7  }
0x11: {  	s7 =	sadd.s32 $0x29A00, s8;
	s8 =	smax.u32 s9, $0x1;
	s9 =	sadd.s32 s10, s11  }
0x12: {  	s10 =	sshrl.u32 s13, $0x3;
	s11 =	simm.s32 $0x5;
	s13 =	simm.s32 $0x280  }
.LBB2_1:
0x13: {  	[spmem:s10], [sflag:s6] =	dma.local [hbm:s5], $0x50  }
0x14: {  	_ =	swait.ge [sflag:s11], $0x50  }
0x15: {  	[sflag:s11] =	ssyncset.done $0x0  }
0x16: {  	[sflag:s11] =	ssyncadd.s32 $0xFFFFFFB0  }
0x17: {  	[tilespmem:s12], [sflag:$0x5] =	stream.linear.gather [hbm4b:s2+s4], $0x80, $0x38;
	[tilespmem:$0x5300] =	vst v63  }
0x18: {  	_ =	swait.ge [sflag:s11], $0x80  }
0x19: {  	[sflag:s11] =	ssyncset.done $0x0  }
0x1a: {  	[sflag:s11] =	ssyncadd.s32 $0xFFFFFF80  }
0x1b: {  	[tilespmem:s13], [sflag:$0x5] =	stream.linear.gather [hbm4b:s9+s4], $0x5000, $0x38;
	[tilespmem:$0x5300] =	vst v63  }
0x1c: {  	_ =	swait.ge [sflag:s11], $0x5000  }
0x1d: {  	[sflag:s11] =	ssyncset.done $0x0  }
0x1e: {  	[sflag:s11] =	ssyncadd.s32 $0xFFFFB000  }
0x1f: {  	[bflag:$0x0] =	sbarrier.arrive $0xFFFF  }
0x20: {  	[spmem:s3] =	stream.indirect.scatter.add.f32 [tilespmem:s12], [sflag:$0x1], $0x1, s13, s14, $0xb8;
	[tilespmem:$0x5300] =	vst v63  }
0x21: {  	_ = 	snop  }
0x22: {  	[spmem:s3] =	stream.indirect.scatter.add.f32 [tilespmem:s12], [sflag:$0x2], $0x1, s15, s14, $0xb8;
	[tilespmem:$0x5300] =	vst v63  }
0x23: {  	_ = 	snop  }
0x24: {  	[spmem:s3] =	stream.indirect.scatter.add.f32 [tilespmem:s12], [sflag:$0x3], $0x1, s16, s14, $0xb8;
	[tilespmem:$0x5300] =	vst v63  }
0x25: {  	_ = 	snop  }
0x26: {  	[spmem:s3] =	stream.indirect.scatter.add.f32 [tilespmem:s12], [sflag:$0x4], $0x1, s17, s14, $0xb8;
	[tilespmem:$0x5300] =	vst v63  }
0x27: {  	_ =	swait.ge [sflag:s18], $0x7D  }
0x28: {  	[sflag:s18] =	ssyncset.done $0x0  }
0x29: {  	s25 =	simm.s32 $0x480;
	[sflag:s18] =	ssyncadd.s32 $0xFFFFFF83  }
0x2a: {  	[spmem:s3] =	stream.indirect.scatter.add.f32 [tilespmem:s12], [sflag:$0x1], $0x1, s25, s14, $0xb8;
	[tilespmem:$0x5300] =	vst v63  }
0x2b: {  	_ =	swait.ge [sflag:s19], $0x7D  }
0x2c: {  	[sflag:s19] =	ssyncset.done $0x0  }
0x2d: {  	s30 =	simm.s32 $0x500;
	[sflag:s19] =	ssyncadd.s32 $0xFFFFFF83  }
0x2e: {  	[spmem:s3] =	stream.indirect.scatter.add.f32 [tilespmem:s12], [sflag:$0x2], $0x1, s30, s14, $0xb8;
	[tilespmem:$0x5300] =	vst v63  }
0x2f: {  	_ =	swait.ge [sflag:s20], $0x7D  }
0x30: {  	[sflag:s20] =	ssyncset.done $0x0  }
0x31: {  	s31 =	simm.s32 $0x580;
	[sflag:s20] =	ssyncadd.s32 $0xFFFFFF83  }
0x32: {  	[spmem:s3] =	stream.indirect.scatter.add.f32 [tilespmem:s12], [sflag:$0x3], $0x1, s31, s14, $0xb8;
	[tilespmem:$0x5300] =	vst v63  }
0x33: {  	_ =	swait.ge [sflag:s21], $0x7D  }
0x34: {  	[sflag:s21] =	ssyncset.done $0x0  }
0x35: {  	s26 =	simm.s32 $0x600;
	s25 =	simm.s32 $0xFFFED000;
	[sflag:s21] =	ssyncadd.s32 $0xFFFFFF83  }
.LBB2_2:
0x36: {  	[spmem:s3] =	stream.indirect.scatter.add.f32 [tilespmem:s12], [sflag:$0x4], $0x1, s26, s14, $0xb8;
	[tilespmem:$0x5300] =	vst v63  }
0x37: {  	s26 =	smov.u32 s25  }
0x38: {  	p0 =	sne.s32 s25, $0xFFFFF800;
	s25 =	sadd.s32 $0x800, s25;
	_ =	swait.ge [sflag:s18], $0x7D  }
0x39: {  	s26 =	sshra.s32 s26, $0x2;
	[sflag:s18] =	ssyncset.done $0x0  }
0x3a: {  	s28 =	sadd.s32 $0x5280, s26;
	[sflag:s18] =	ssyncadd.s32 $0xFFFFFF83  }
0x3b: {  	[spmem:s3] =	stream.indirect.scatter.add.f32 [tilespmem:s12], [sflag:$0x1], $0x1, s28, s14, $0xb8;
	[tilespmem:$0x5300] =	vst v63  }
0x3c: {  	_ =	swait.ge [sflag:s19], $0x7D  }
0x3d: {  	[sflag:s19] =	ssyncset.done $0x0  }
0x3e: {  	s28 =	sadd.s32 $0x5300, s26;
	[sflag:s19] =	ssyncadd.s32 $0xFFFFFF83  }
0x3f: {  	[spmem:s3] =	stream.indirect.scatter.add.f32 [tilespmem:s12], [sflag:$0x2], $0x1, s28, s14, $0xb8;
	[tilespmem:$0x5300] =	vst v63  }
0x40: {  	_ =	swait.ge [sflag:s20], $0x7D  }
0x41: {  	[sflag:s20] =	ssyncset.done $0x0  }
.Ltmp0:
0x42: {  	s28 =	sadd.s32 $0x5380, s26;
	[sflag:s20] =	ssyncadd.s32 $0xFFFFFF83;
	(pc) =	sbr.rel @p0 .LBB2_2-.Ltmp0, $4  }
0x43: {  	[spmem:s3] =	stream.indirect.scatter.add.f32 [tilespmem:s12], [sflag:$0x3], $0x1, s28, s14, $0xb8;
	[tilespmem:$0x5300] =	vst v63  }
0x44: {  	_ =	swait.ge [sflag:s21], $0x7D  }
0x45: {  	[sflag:s21] =	ssyncset.done $0x0  }
0x46: {  	s26 =	sadd.s32 $0x5400, s26;
	[sflag:s21] =	ssyncadd.s32 $0xFFFFFF83  }
0x47: {  	[spmem:s3] =	stream.indirect.scatter.add.f32 [tilespmem:s12], [sflag:$0x4], $0x1, s26, s14, $0xb8;
	[tilespmem:$0x5300] =	vst v63  }
0x48: {  	_ =	swait.ge [sflag:s18], $0x7D  }
0x49: {  	[sflag:s18] =	ssyncset.done $0x0  }
0x4a: {  	[sflag:s18] =	ssyncadd.s32 $0xFFFFFF83  }
0x4b: {  	_ =	swait.ge [sflag:s19], $0x7D  }
0x4c: {  	[sflag:s19] =	ssyncset.done $0x0  }
0x4d: {  	[sflag:s19] =	ssyncadd.s32 $0xFFFFFF83  }
0x4e: {  	_ =	swait.ge [sflag:s20], $0x7D  }
0x4f: {  	[sflag:s20] =	ssyncset.done $0x0  }
0x50: {  	[sflag:s20] =	ssyncadd.s32 $0xFFFFFF83  }
0x51: {  	_ =	swait.ge [sflag:s21], $0x7D  }
0x52: {  	s24 =	sadd.s32 $0x1, s24;
	[sflag:s21] =	ssyncset.done $0x0  }
0x53: {  	p0 =	sne.s32 s24, s8;
	[sflag:s21] =	ssyncadd.s32 $0xFFFFFF83  }
.Ltmp1:
0x54: {  	[bflag:$0x0] =	sbarrier.arrive $0xFFFF;
	(pc) =	sbr.rel @p0 .LBB2_1-.Ltmp1, $4  }
0x55: {  	[hbm:s7@s22], [sflag:s6] =	dma.strided [spmem:s10@s23], $0x50, s18, $0x10   }
0x56: {  	_ =	swait.ge [sflag:s11], $0x50  }
0x57: {  	[sflag:s11] =	ssyncset.done $0x0  }
0x58: {  	[sflag:s11] =	ssyncadd.s32 $0xFFFFFFB0  }
0x59: {  	_ =	sfence.sel $0x180000  }
0x5a: {  	[bflag:$0x0] =	sbarrier.arrive $0xFFFF  }
0x5b: {  	p0 =	sne.s32 s1, $0x0;
	_ =	strace $0x90000047  }
0x5c: {  	s0 =	sadd.s32 @!p0 $0x100000, s0;
	[bflag:$0x2] =	sbarrier.arrive $0xFFFF  }
0x5d: {  	[sflag:s0] =	ssyncadd.tile.s32 @!p0 $0x1;
	_ =	shalt  }
.Lfunc_end2:
_tile_overlayer_lowered:
.L_overlay_start_2:
0x5e: {  	(tag) =	ssettag $0x2  }
0x5f: {  	s0 =	rddreg [dreg:$0x0];
	s2 =	stileid.u32  }
0x60: {  	s1 =	rddreg [dreg:$0x1];
	p0 =	sne.s32 s2, $0x0  }
0x61: {  	s3 =	rddreg [dreg:$0x2];
	[bflag:$0x3] =	sbarrier.arrive $0xFFFF;
	s2 =	simm.s32 @!p0 $0x1C05  }
0x62: {  	[timem:s3], [sflag:s2] =	dma.local @!p0 [hbm:s0], s1  }
0x63: {  	s0 =	simm.s32 @!p0 $0x5  }
0x64: {  	_ =	swait.ge @!p0 [sflag:s0], s1  }
0x65: {  	s1 =	ssub.s32 @!p0 $0x0, s1;
	[sflag:s0] =	ssyncset.done @!p0 $0x0  }
0x66: {  	[sflag:s0] =	ssyncadd.s32 @!p0 s1  }
0x67: {  	[bflag:$0x3] =	sbarrier.arrive $0xFFFF  }
0x68: {  	_ =	shalt  }

// kernel: kernel.9.cloned.1.call-start
scs
__scs_entry_jumppad:
0x0: {  	(pc) =	sbr.rel $0x88, $3  }
0x1: {  	(tag) =	ssettag $0x0;
	lr =	simm.s32 $0x1  }
0x2: {  	[smem:$0x3F99] =	sst lr;
	_ =	strace $0xD0000000  }
0x3: {  	_ = 	snop  }
0x4: {  	_ = 	snop  }
0x5: {  	_ = 	snop  }
0x6: {  	_ = 	snop  }
0x7: {  	_ = 	snop  }
__scs_overlays_trampoline_lowered:
0x8: {  	[smem:$0x3FA8] =	sst s0  }
0x9: {  	[smem:$0x3FA9] =	sst s1  }
0xa: {  	[smem:$0x3FAA] =	sst s2  }
0xb: {  	[smem:$0x3FAB] =	sst s3  }
0xc: {  	[smem:$0x3FAC] =	sst s4  }
0xd: {  	[smem:$0x3FAD] =	sst s5  }
0xe: {  	[smem:$0x3FAE] =	sst s6  }
0xf: {  	[smem:$0x3FAF] =	sst s7  }
0x10: {  	[smem:$0x3FB0] =	sst s8  }
0x11: {  	[smem:$0x3FB1] =	sst s9;
	s0 =	simm.s32 @!p0 $0x0  }
0x12: {  	s1 =	sld [smem:$0x3F97];
	s0 =	simm.s32 @p0 $0x1  }
0x13: {  	[smem:$0x3FB2] =	sst s0;
	s0 =	simm.s32 @!p1 $0x0  }
0x14: {  	s2 =	sld [smem:$0x3F96];
	s0 =	simm.s32 @p1 $0x1  }
0x15: {  	[smem:$0x3FB3] =	sst s0;
	s0 =	simm.s32 @!p2 $0x0  }
0x16: {  	s3 =	sld [smem:$0x3FDB];
	s0 =	simm.s32 @p2 $0x1  }
0x17: {  	s4 =	simm.s32 $0x1BF5;
	[smem:$0x3FB5] =	sst s0  }
0x18: {  	s0 =	sld [smem:$0x3F98];
	_ =	swait.ge [sflag:s4], $0x0  }
0x19: {  	s7 =	sld [smem:$0x3F99]  }
0x1a: {  	s8 =	sadd.s32 $0xFFFFE003, lr  }
0x1b: {  	s9 =	sadd.s32 $0xFFFFFEF7, lr;
	s5 =	simm.s32 $0xFFFFFFFF;
	p2 =	slt.u32 s8, $0xFFFFF086  }
0x1c: {  	p1 =	slt.u32 s9, $0xF7A;
	s5 =	simm.s32 @!p2 $0x0  }
0x1d: {  	s5 =	simm.s32 @p1 $0x1;
	p0 =	seq.s32 s7, s2  }
0x1e: {  	s7 =	smul.u32 @!p0 $0xF7A, s2;
	p2 =	seq.s32 @!p0 s5, $0x0  }
0x1f: {  	s9 =	smul.u32 $0xF7A, s1;
	s8 =	simm.s32 @!p0 $0x1BF5;
	p2 =	por !p2, p0  }
0x20: {  	[sflag:s8] =	ssyncset.s32 @!p0 $0xFFFFF086;
	s6 =	sadd.s32 @!p0 s3, s7;
	s7 =	simm.s32 @!p0 $0x108  }
0x21: {  	s3 =	sadd.s32 s3, s9;
	s6 =	sadd.s32 @!p0 $0x88, s6;
	s7 =	simm.s32 @p2 $0x1082  }
0x22: {  	[simem:s7], [sflag:s8] =	dma.local @!p0 [hbm:s6], $0xF7A  }
0x23: {  	s9 =	sor.u32 $0xD0000000, s2;
	s6 =	simm.s32 $0x108;
	_ =	swait.ge @!p0 [sflag:s8], $0x0  }
0x24: {  	s3 =	sadd.s32 $0x88, s3;
	s6 =	simm.s32 @!p1 $0x1082;
	[sflag:s4] =	ssyncset.s32 $0xFFFFF086  }
0x25: {  	[simem:s6], [sflag:s4] =	dma.local [hbm:s3], $0xF7A  }
0x26: {  	[smem:$0x3F99] =	sst s1;
	(tag) =	ssettag s2;
	_ =	strace s9  }
0x27: {  	s1 =	sld [smem:$0x3FA9]  }
0x28: {  	s2 =	sld [smem:$0x3FAA]  }
0x29: {  	s4 =	sld [smem:$0x3FAC]  }
0x2a: {  	p0 =	seq.s32 s5, $0x0;
	s5 =	sld [smem:$0x3FAD]  }
0x2b: {  	s6 =	sld [smem:$0x3FAE]  }
0x2c: {  	s7 =	sld [smem:$0x3FAF]  }
0x2d: {  	s3 =	simm.s32 $0x108;
	s8 =	sld [smem:$0x3FB0]  }
0x2e: {  	s3 =	simm.s32 @!p0 $0x1082;
	s9 =	sld [smem:$0x3FB1]  }
0x2f: {  	lr =	sadd.s32 s0, s3;
	s0 =	sld [smem:$0x3FA8]  }
0x30: {  	s3 =	sld [smem:$0x3FAB]  }
0x31: {  	[smem:$0x3FB4] =	sst s10  }
0x32: {  	s10 =	sld [smem:$0x3FB2];
	_ =	sdelay $0x3  }
0x33: {  	p0 =	seq.s32 s10, $0x1;
	s10 =	sld [smem:$0x3FB4];
	_ =	sdelay $0x3  }
0x34: {  	[smem:$0x3FB4] =	sst s10  }
0x35: {  	s10 =	sld [smem:$0x3FB3];
	_ =	sdelay $0x3  }
0x36: {  	p1 =	seq.s32 s10, $0x1;
	s10 =	sld [smem:$0x3FB4];
	_ =	sdelay $0x3  }
0x37: {  	[smem:$0x3FB4] =	sst s10  }
0x38: {  	s10 =	sld [smem:$0x3FB5]  }
0x39: {  	_ = 	snop;
	(pc) =	sbr.ind lr, $3  }
0x3a: {  	_ = 	snop  }
0x3b: {  	_ = 	snop  }
0x3c: {  	p2 =	seq.s32 s10, $0x1;
	s10 =	sld [smem:$0x3FB4]  }
0x3d: {  	_ =	shalt  }
0x3e: {  	_ =	shalt  }
0x3f: {  	_ =	shalt  }
0x40: {  	_ =	shalt  }
0x41: {  	_ =	shalt  }
0x42: {  	_ =	shalt  }
0x43: {  	_ =	shalt  }
0x44: {  	_ =	shalt  }
0x45: {  	_ =	shalt  }
0x46: {  	_ =	shalt  }
0x47: {  	_ =	shalt  }
0x48: {  	_ =	shalt  }
0x49: {  	_ =	shalt  }
0x4a: {  	_ =	shalt  }
0x4b: {  	_ =	shalt  }
0x4c: {  	_ =	shalt  }
0x4d: {  	_ =	shalt  }
0x4e: {  	_ =	shalt  }
0x4f: {  	_ =	shalt  }
0x50: {  	_ =	shalt  }
0x51: {  	_ =	shalt  }
0x52: {  	_ =	shalt  }
0x53: {  	_ =	shalt  }
0x54: {  	_ =	shalt  }
0x55: {  	_ =	shalt  }
0x56: {  	_ =	shalt  }
0x57: {  	_ =	shalt  }
0x58: {  	_ =	shalt  }
0x59: {  	_ =	shalt  }
0x5a: {  	_ =	shalt  }
0x5b: {  	_ =	shalt  }
0x5c: {  	_ =	shalt  }
0x5d: {  	_ =	shalt  }
0x5e: {  	_ =	shalt  }
0x5f: {  	_ =	shalt  }
0x60: {  	_ =	shalt  }
0x61: {  	_ =	shalt  }
0x62: {  	_ =	shalt  }
0x63: {  	_ =	shalt  }
0x64: {  	_ =	shalt  }
0x65: {  	_ =	shalt  }
0x66: {  	_ =	shalt  }
0x67: {  	_ =	shalt  }
0x68: {  	_ =	shalt  }
0x69: {  	_ =	shalt  }
0x6a: {  	_ =	shalt  }
0x6b: {  	_ =	shalt  }
0x6c: {  	_ =	shalt  }
0x6d: {  	_ =	shalt  }
0x6e: {  	_ =	shalt  }
0x6f: {  	_ =	shalt  }
0x70: {  	_ =	shalt  }
0x71: {  	_ =	shalt  }
0x72: {  	_ =	shalt  }
0x73: {  	_ =	shalt  }
0x74: {  	_ =	shalt  }
0x75: {  	_ =	shalt  }
0x76: {  	_ =	shalt  }
0x77: {  	_ =	shalt  }
0x78: {  	_ =	shalt  }
0x79: {  	_ =	shalt  }
0x7a: {  	_ =	shalt  }
0x7b: {  	_ =	shalt  }
0x7c: {  	_ =	shalt  }
0x7d: {  	_ =	shalt  }
0x7e: {  	_ =	shalt  }
0x7f: {  	_ =	shalt  }
0x80: {  	_ =	shalt  }
0x81: {  	_ =	shalt  }
0x82: {  	_ =	shalt  }
0x83: {  	_ =	shalt  }
0x84: {  	_ =	shalt  }
0x85: {  	_ =	shalt  }
0x86: {  	_ =	shalt  }
0x87: {  	_ =	shalt  }
.Lfunc_end0:
.L_simem_size_0:
called_computation.1_lowered:
.L_overlay_start_0:
0x88: {  	s2 =	sld [smem:$0x3FD9]  }
0x89: {  	s3 =	sld [smem:$0x3FFE];
	_ =	sdelay $0x1  }
0x8a: {  	s1 =	srdreg.scid  }
0x8b: {  	s0 =	sand.u32 $0x1, s1  }
0x8c: {  	s16 =	sshll.u32 s0, $0xA;
	s2 =	sadd.s32 s3, s2  }
0x8d: {  	s2 =	sadd.s32 s2, s16  }
0x8e: {  	[smem:$0x3FC0] =	sst s2  }
0x8f: {  	_ = 	snop  }
0x90: {  	(tm) =	ssettm $0x1  }
0x91: {  	s17 =	sld [smem:$0x3FFB];
	_ =	sdelay $0x3  }
0x92: {  	_ =	strace s17  }
0x93: {  	s2 =	sld [smem:$0x3FFC];
	_ =	sdelay $0x3  }
0x94: {  	_ =	strace s2  }
0x95: {  	s2 =	sld [smem:$0x3FFD];
	_ =	sdelay $0x3  }
0x96: {  	_ =	strace s2  }
0x97: {  	_ =	strace $0x8FFFFFFF  }
0x98: {  	s18 =	sld [smem:$0x3FDB];
	_ =	sdelay $0x1  }
0x99: {  	s19 =	simm.s32 $_scs_section_size  }
0x9a: {  	s4 =	simm.s32 $_size__tile_overlayer_lowered;
	s5 =	simm.s32 $_tile_overlayer_lowered  }
0x9b: {  	s22 =	simm.s32 $0x1BFF;
	s21 =	sshll.u32 s5, $0x1;
	s2 =	sadd.s32 s19, s18  }
0x9c: {  	s6 =	simm.s32 $0x0;
	s20 =	sshll.u32 s4, $0x1;
	s4 =	sadd.s32 s21, s2  }
0x9d: {  	[timem:s6], [sflag:s22] =	dma.local [hbm:s4], s20  }
0x9e: {  	_ =	swait.ge [sflag:s22], s20  }
0x9f: {  	s3 =	ssub.s32 $0x0, s20;
	[sflag:s22] =	ssyncset.done $0x0  }
0xa0: {  	[sflag:s22] =	ssyncadd.s32 s3;
	_ =	sdelay $0x1  }
0xa1: {  	s23 =	simm.s32 $0x1B8B  }
0xa2: {  	_ =	swait.ge [sflag:s23], $0x1  }
0xa3: {  	[sflag:s23] =	ssyncset.done $0x0  }
0xa4: {  	s25 =	simm.s32 $0x1B8E;
	s24 =	sld [smem:$0x3FFE];
	[sflag:s23] =	ssyncadd.s32 $0xFFFFFFFF  }
0xa5: {  	s26 =	simm.s32 $execute0_lowered;
	[smem:$0x3FD2] =	sst s25  }
0xa6: {  	s4 =	sshll.u32 s26, $0x1;
	_ =	strace $0x80000049;
	[dreg:$0x1] =	wrdreg $0xFFFFFFFF  }
0xa7: {  	s28 =	simm.s32 $_size_execute0_lowered;
	s2 =	sadd.s32 s2, s4;
	[dreg:$0x0] =	wrdreg $0x0  }
0xa8: {  	s4 =	sshll.u32 s28, $0x1;
	[dreg:$0x2] =	wrdreg s2  }
0xa9: {  	[dreg:$0x3] =	wrdreg s4  }
0xaa: {  	[dreg:$0x4] =	wrdreg $0xC0  }
0xab: {  	_ =	task [dreg:s6], $0x5FFFF  }
0xac: {  	[dreg:$0x1] =	wrdreg $0xFFFFFFFF  }
0xad: {  	[dreg:$0x0] =	wrdreg $0x60  }
0xae: {  	[dreg:$0x2] =	wrdreg s24  }
0xaf: {  	[dreg:$0x3] =	wrdreg $0x0  }
0xb0: {  	[dreg:$0x4] =	wrdreg $0x140000  }
0xb1: {  	[dreg:$0x5] =	wrdreg $0x9  }
0xb2: {  	_ =	task.clear_ibuf [dreg:s6], $0x6FFFF;
	_ =	strace $0x90000049  }
0xb3: {  	s29 =	simm.s32 $0x9;
	_ =	strace $0x8000004B  }
0xb4: {  	_ =	swait.ge [sflag:s29], $0x1  }
0xb5: {  	[sflag:s29] =	ssyncadd.s32 $0xFFFFFFFF  }
0xb6: {  	_ =	strace $0x9000004B  }
0xb7: {  	_ =	sfence  }
0xb8: {  	s30 =	sld [smem:$0x0];
	_ =	sdelay $0x2  }
0xb9: {  	s31 =	sshll.u32 s1, $0xD;
	s1 =	sshrl.u32 s1, $0x2  }
0xba: {  	s3 =	sand.u32 $0x4000, s31;
	s1 =	sadd.s32 s1, s30  }
0xbb: {  	s0 =	sor.u32 s3, s0;
	s1 =	sshll.u32 s1, $0x11  }
0xbc: {  	s0 =	sor.u32 s1, s0  }
0xbd: {  	s0 =	sadd.s32 $0x8F2B, s0  }
0xbe: {  	[sflag:s0] =	ssyncadd.remote.s32 $0x1  }
0xbf: {  	_ =	sfence.sel $0xFFFF  }
0xc0: {  	[dreg:$0x0] =	wrdreg $0xFFFFFFFF;
	(pc) =	sbr.abs _section_cstart, $3  }
0xc1: {  	[dreg:$0x1] =	wrdreg $0xFFFFFFFF  }
0xc2: {  	_ =	task.clear_ibuf [dreg:s6], $0x2FFFF;
	_ =	strace $0x9FFFFFFF  }
0xc3: {  	(tm) =	ssettm $0x7FFFFFFF  }
tec
execute0_lowered:
.L_overlay_start_1:
0x0: {  	(tag) =	ssettag $0x1  }
0x1: {  	s0 =	rddreg [dreg:$0x0]  }
0x2: {  	s1 =	rddreg [dreg:$0x1]  }
0x3: {  	s2 =	rddreg [dreg:$0x2];
	s3 =	srdreg.scid;
	s4 =	simm.s32 $0x0  }
0x4: {  	s15 =	stileid.u32;
	s29 =	simm.s32 $0x14500;
	s30 =	simm.s32 $0x14380  }
0x5: {  	s28 =	simm.s32 $0xA;
	s31 =	simm.s32 $0x14600;
	s3 =	sand.u32 $0x1, s3  }
0x6: {  	[smem:$0x7FF] =	sst s4;
	s8 =	smul.u32 $0x14000, s15;
	s9 =	sadd.s32 $0x1C00, s0  }
0x7: {  	s10 =	smul.u32 $0x500, s15;
	s11 =	sadd.s32 $0xBA00, s0;
	s5 =	sadd.s32 $0x29A00, s0  }
0x8: {  	s6 =	sadd.s32 $0x15800, s0;
	s21 =	sadd.s32 $0x15E00, s0;
	s25 =	smul.u32 $0x50000, s15  }
0x9: {  	s22 =	sadd.s32 $0x29800, s0;
	s14 =	smul.u32 $0xA00, s15;
	s16 =	sshll.u32 s15, $0x6  }
0xa: {  	s7 =	smul.u32 $0x140000, s3;
	_ =	strace $0x8000004A;
	[dreg:$0x4] =	wrdreg s21  }
0xb: {  	s12 =	sshll.u32 s3, $0x7;
	[dreg:$0x5] =	wrdreg s22;
	s23 =	ssub.s32 $0x2, s3  }
0xc: {  	s24 =	sshll.u32 s3, $0x4;
	s3 =	smul.u32 $0x4E20, s3;
	s20 =	sor.u32 s12, s10  }
0xd: {  	s13 =	sshrl.u32 s23, $0x1;
	s10 =	sor.u32 s15, s24;
	s12 =	sshrl.u32 s25, $0x2  }
0xe: {  	s17 =	sshrl.u32 s14, $0x2;
	s24 =	smul.u32 $0x4E2, s15;
	s14 =	simm.s32 $0x14680  }
0xf: {  	s15 =	simm.s32 $0x1E680;
	s7 =	sadd.s32 s8, s7;
	s26 =	smul.u32 $0x2710, s10  }
0x10: {  	s8 =	sshrl.u32 s20, $0x3;
	s12 =	sadd.s32 s12, s1;
	s10 =	smul.u32 $0x4E2, s10  }
0x11: {  	s25 =	sadd.s32 s3, s9;
	s3 =	sadd.s32 s3, s11;
	s1 =	simm.s32 $0x16E80  }
0x12: {  	s7 =	sshrl.u32 s7, $0x3;
	[dreg:$0x6] =	wrdreg s12;
	s12 =	sadd.s32 s17, s2  }
0x13: {  	s2 =	simm.s32 $0x1E700;
	s17 =	simm.s32 $0x14400;
	s7 =	sadd.s32 s7, s0  }
0x14: {  	s0 =	sadd.s32 s8, s0;
	s8 =	ssub.s32 s23, s13;
	s23 =	sor.u32 $0x1C0D, s16  }
0x15: {  	s13 =	sshrl.u32 s26, $0x3;
	[dreg:$0x8] =	wrdreg s12;
	s18 =	sadd.s32 s9, s10  }
0x16: {  	s10 =	sadd.s32 s11, s10;
	s26 =	sadd.s32 s24, s3;
	[dreg:$0x9] =	wrdreg s18  }
0x17: {  	s16 =	simm.s32 $0x14680;
	s19 =	sadd.s32 $0xA, s13;
	[dreg:$0xa] =	wrdreg s10  }
0x18: {  	s21 =	sadd.s32 $0x14, s13;
	s7 =	sadd.s32 $0x50C00, s7;
	[dreg:$0x13] =	wrdreg s26  }
0x19: {  	s0 =	sadd.s32 $0x18600, s0;
	s8 =	smax.u32 s8, $0x1;
	[dreg:$0x7] =	wrdreg s23  }
0x1a: {  	s13 =	simm.s32 $0x1;
	s26 =	simm.s32 $0x7;
	[dreg:$0xf] =	wrdreg s7  }
0x1b: {  	s20 =	sadd.s32 s9, s19;
	s12 =	sadd.s32 s11, s19;
	[dreg:$0x10] =	wrdreg s0  }
0x1c: {  	s22 =	sadd.s32 s9, s21;
	s10 =	sadd.s32 s11, s21;
	[dreg:$0x11] =	wrdreg s8  }
0x1d: {  	s0 =	sadd.s32 s24, s25;
	s7 =	simm.s32 $0xD;
	[dreg:$0xb] =	wrdreg s20  }
.Ltmp0:
0x1e: {  	s24 =	simm.s32 $0x14280;
	[dreg:$0xc] =	wrdreg s12;
	(pc) =	sbr.rel .LBB2_1-.Ltmp0, $4  }
0x1f: {  	s25 =	simm.s32 $0x14480;
	s19 =	simm.s32 $0x9;
	[dreg:$0xd] =	wrdreg s22  }
0x20: {  	s9 =	simm.s32 $0x8;
	s11 =	simm.s32 $0xB;
	[dreg:$0xe] =	wrdreg s10  }
0x21: {  	s8 =	simm.s32 $0x0;
	s21 =	simm.s32 $0x19680;
	[dreg:$0x12] =	wrdreg s0  }
0x22: {  	s10 =	simm.s32 $0x14300;
	s0 =	simm.s32 $0x50;
	s20 =	simm.s32 $0x4  }
.LBB2_4:
0x23: {  	s1 =	simm.s32 $0x5  }
0x24: {  	_ =	swait.ge [sflag:s1], $0x2800  }
0x25: {  	[sflag:s1] =	ssyncset.done $0x0  }
0x26: {  	[sflag:s1] =	ssyncadd.s32 $0xFFFFD800  }
0x27: {  	_ =	swait.ge [sflag:s1], $0x50  }
0x28: {  	[sflag:s1] =	ssyncset.done $0x0  }
0x29: {  	s25 =	simm.s32 $0x14480;
	[sflag:s1] =	ssyncadd.s32 $0xFFFFFFB0  }
0x2a: {  	s14 =	simm.s32 $0x14680;
	s24 =	simm.s32 $0x14280;
	s1 =	rddreg [dreg:$0x1]  }
0x2b: {  	[spmem:s1] =	stream.indirect.scatter.add.f32 [tilespmem:s14], [sflag:$0x9], $0x80, s25, s0, $0xb8;
	[tilespmem:$0x1E880] =	vst v63  }
0x2c: {  	s15 =	simm.s32 $0x1E680;
	s8 =	simm.s32 $0xC;
	s7 =	rddreg [dreg:$0x2]  }
0x2d: {  	[spmem:s7] =	stream.indirect.scatter.add.f32 [tilespmem:s15], [sflag:$0x9], $0x1, s24, s0, $0xb8;
	[tilespmem:$0x1E880] =	vst v63  }
0x2e: {  	_ =	swait.ge [sflag:s8], $0x2800  }
0x2f: {  	[sflag:s8] =	ssyncset.done $0x0  }
0x30: {  	[sflag:s8] =	ssyncadd.s32 $0xFFFFD800  }
0x31: {  	_ =	swait.ge [sflag:s8], $0x50  }
0x32: {  	[sflag:s8] =	ssyncset.done $0x0  }
0x33: {  	[sflag:s8] =	ssyncadd.s32 $0xFFFFFFB0  }
0x34: {  	_ =	swait.ge [sflag:s19], $0x2800  }
0x35: {  	[sflag:s19] =	ssyncset.done $0x0  }
0x36: {  	[sflag:s19] =	ssyncadd.s32 $0xFFFFD800  }
0x37: {  	_ =	swait.ge [sflag:s19], $0x50  }
0x38: {  	[sflag:s19] =	ssyncset.done $0x0  }
0x39: {  	[sflag:s19] =	ssyncadd.s32 $0xFFFFFFB0  }
0x3a: {  	[bflag:$0x0] =	sbarrier.arrive $0xFFFF  }
0x3b: {  	s23 =	rddreg [dreg:$0x7]  }
0x3c: {  	s3 =	rddreg [dreg:$0xf]  }
0x3d: {  	s7 =	simm.s32 $0xD;
	s10 =	rddreg [dreg:$0x15]  }
0x3e: {  	[hbm:s3], [sflag:s23] =	dma.local [spmem:s10], $0x2800  }
0x3f: {  	_ =	swait.ge [sflag:s7], $0x2800  }
0x40: {  	s18 =	simm.s32 $0x20;
	[sflag:s7] =	ssyncset.done $0x0;
	s12 =	rddreg [dreg:$0x10]  }
0x41: {  	s2 =	simm.s32 $0x10;
	s4 =	rddreg [dreg:$0x16];
	[sflag:s7] =	ssyncadd.s32 $0xFFFFD800  }
0x42: {  	[hbm:s12@s18], [sflag:s23] =	dma.strided [spmem:s4@s2], $0x50, s13, $0x10   }
0x43: {  	_ =	swait.ge [sflag:s7], $0x50  }
0x44: {  	s8 =	rddreg [dreg:$0x14]  }
0x45: {  	s22 =	rddreg [dreg:$0x11];
	s8 =	sadd.s32 $0x1, s8  }
0x46: {  	p0 =	sne.s32 s8, s22  }
.Ltmp1:
0x47: {  	_ = 	snop;
	(pc) =	sbr.rel @!p0 .LBB2_5-.Ltmp1, $4  }
0x48: {  	_ = 	snop  }
0x49: {  	s29 =	simm.s32 $0x14500;
	s30 =	simm.s32 $0x14380  }
0x4a: {  	s1 =	simm.s32 $0x16E80;
	s10 =	simm.s32 $0x14300;
	[sflag:s7] =	ssyncset.done $0x0  }
0x4b: {  	s2 =	simm.s32 $0x1E700;
	s4 =	simm.s32 $0x0;
	[sflag:s7] =	ssyncadd.s32 $0xFFFFFFB0  }
.LBB2_1:
0x4c: {  	[dreg:$0x14] =	wrdreg s8  }
0x4d: {  	s3 =	rddreg [dreg:$0x6]  }
0x4e: {  	s22 =	rddreg [dreg:$0x4];
	s18 =	sshrl.u32 s3, $0x3  }
0x4f: {  	[dreg:$0x15] =	wrdreg s18  }
0x50: {  	[spmem:s18], [sflag:s23] =	dma.local [hbm:s22], $0x2800  }
0x51: {  	_ =	swait.ge [sflag:s7], $0x2800  }
0x52: {  	s8 =	rddreg [dreg:$0x8]  }
0x53: {  	[sflag:s7] =	ssyncset.done $0x0;
	s18 =	rddreg [dreg:$0x5];
	s12 =	sshrl.u32 s8, $0x3  }
0x54: {  	[sflag:s7] =	ssyncadd.s32 $0xFFFFD800;
	[dreg:$0x16] =	wrdreg s12  }
0x55: {  	[spmem:s12], [sflag:s23] =	dma.local [hbm:s18], $0x50  }
0x56: {  	_ =	swait.ge [sflag:s7], $0x50  }
0x57: {  	[sflag:s7] =	ssyncset.done $0x0  }
0x58: {  	[sflag:s7] =	ssyncadd.s32 $0xFFFFFFB0  }
0x59: {  	[bflag:$0x0] =	sbarrier.arrive $0xFFFF  }
0x5a: {  	s22 =	rddreg [dreg:$0x9]  }
0x5b: {  	[tilespmem:s24], [sflag:$0x1] =	stream.linear.gather [hbm4b:s22+s4], $0x50, $0x38;
	[tilespmem:$0x1E880] =	vst v63  }
0x5c: {  	s23 =	rddreg [dreg:$0xa]  }
0x5d: {  	[tilespmem:s25], [sflag:$0x1] =	stream.linear.gather [hbm4b:s23+s4], $0x50, $0x38;
	[tilespmem:$0x1E880] =	vst v63  }
0x5e: {  	s7 =	rddreg [dreg:$0xb]  }
0x5f: {  	[tilespmem:s10], [sflag:$0x2] =	stream.linear.gather [hbm4b:s7+s4], $0x50, $0x38;
	[tilespmem:$0x1E880] =	vst v63  }
0x60: {  	s8 =	rddreg [dreg:$0xc]  }
0x61: {  	[tilespmem:s29], [sflag:$0x2] =	stream.linear.gather [hbm4b:s8+s4], $0x50, $0x38;
	[tilespmem:$0x1E880] =	vst v63  }
0x62: {  	s12 =	rddreg [dreg:$0xd]  }
0x63: {  	[tilespmem:s30], [sflag:$0x3] =	stream.linear.gather [hbm4b:s12+s4], $0x50, $0x38;
	[tilespmem:$0x1E880] =	vst v63  }
0x64: {  	s18 =	rddreg [dreg:$0xe];
	s23 =	simm.s32 $0x14580  }
0x65: {  	[tilespmem:s23], [sflag:$0x3] =	stream.linear.gather [hbm4b:s18+s4], $0x50, $0x38;
	[tilespmem:$0x1E880] =	vst v63  }
0x66: {  	_ =	swait.ge [sflag:s13], $0x50  }
0x67: {  	[sflag:s13] =	ssyncset.done $0x0  }
0x68: {  	[sflag:s13] =	ssyncadd.s32 $0xFFFFFFB0  }
0x69: {  	_ =	swait.ge [sflag:s13], $0x50  }
0x6a: {  	[sflag:s13] =	ssyncset.done $0x0  }
0x6b: {  	[sflag:s13] =	ssyncadd.s32 $0xFFFFFFB0  }
0x6c: {  	[tilespmem:s14], [sflag:$0x5] =	stream.indirect.gather [hbm4b:s5+s0], $0x80, s24, s0, $0xb8;
	[tilespmem:$0x1E880] =	vst v63  }
0x6d: {  	s22 =	simm.s32 $0x2  }
0x6e: {  	[tilespmem:s15], [sflag:$0x5] =	stream.indirect.gather [hbm4b:s6+s0], $0x1, s25, s0, $0xb8;
	[tilespmem:$0x1E880] =	vst v63  }
0x6f: {  	_ =	swait.ge [sflag:s22], $0x50  }
0x70: {  	[sflag:s22] =	ssyncset.done $0x0  }
0x71: {  	[sflag:s22] =	ssyncadd.s32 $0xFFFFFFB0  }
0x72: {  	_ =	swait.ge [sflag:s22], $0x50  }
0x73: {  	[sflag:s22] =	ssyncset.done $0x0  }
0x74: {  	[sflag:s22] =	ssyncadd.s32 $0xFFFFFFB0  }
0x75: {  	[tilespmem:s1], [sflag:$0x6] =	stream.indirect.gather [hbm4b:s5+s0], $0x80, s10, s0, $0xb8;
	[tilespmem:$0x1E880] =	vst v63  }
0x76: {  	s12 =	simm.s32 $0x16E80;
	s18 =	simm.s32 $0x1E700;
	s14 =	simm.s32 $0x0  }
0x77: {  	[tilespmem:s2], [sflag:$0x6] =	stream.indirect.gather [hbm4b:s6+s0], $0x1, s29, s0, $0xb8;
	[tilespmem:$0x1E880] =	vst v63  }
.LBB2_2:
0x78: {  	s1 =	simm.s32 $0x5  }
0x79: {  	_ =	swait.ge [sflag:s1], $0x2800  }
0x7a: {  	[sflag:s1] =	ssyncset.done $0x0  }
0x7b: {  	[sflag:s1] =	ssyncadd.s32 $0xFFFFD800  }
0x7c: {  	_ =	swait.ge [sflag:s1], $0x50  }
0x7d: {  	[sflag:s1] =	ssyncset.done $0x0  }
0x7e: {  	[sflag:s1] =	ssyncadd.s32 $0xFFFFFFB0  }
0x7f: {  	p0 =	seq.s32 s14, $0x0;
	s2 =	rddreg [dreg:$0x1]  }
0x80: {  	[spmem:s2] =	stream.indirect.scatter.add.f32 [tilespmem:s16], [sflag:$0x9], $0x80, s25, s0, $0xb8;
	[tilespmem:$0x1E880] =	vst v63  }
0x81: {  	s3 =	simm.s32 @!p0 $0xC;
	s1 =	rddreg [dreg:$0x2]  }
0x82: {  	[spmem:s1] =	stream.indirect.scatter.add.f32 [tilespmem:s15], [sflag:$0x9], $0x1, s24, s0, $0xb8;
	[tilespmem:$0x1E880] =	vst v63  }
0x83: {  	_ =	swait.ge @!p0 [sflag:s3], $0x2800  }
0x84: {  	[sflag:s3] =	ssyncset.done @!p0 $0x0  }
0x85: {  	[sflag:s3] =	ssyncadd.s32 @!p0 $0xFFFFD800  }
0x86: {  	_ =	swait.ge @!p0 [sflag:s3], $0x50  }
0x87: {  	[sflag:s3] =	ssyncset.done @!p0 $0x0  }
0x88: {  	s7 =	simm.s32 $0x3;
	[sflag:s3] =	ssyncadd.s32 @!p0 $0xFFFFFFB0  }
0x89: {  	_ =	swait.ge [sflag:s7], $0x50  }
0x8a: {  	[sflag:s7] =	ssyncset.done $0x0  }
0x8b: {  	[sflag:s7] =	ssyncadd.s32 $0xFFFFFFB0  }
0x8c: {  	_ =	swait.ge [sflag:s7], $0x50  }
0x8d: {  	[sflag:s7] =	ssyncset.done $0x0  }
0x8e: {  	s22 =	rddreg [dreg:$0x12];
	[sflag:s7] =	ssyncadd.s32 $0xFFFFFFB0  }
0x8f: {  	[tilespmem:s21], [sflag:$0x7] =	stream.indirect.gather [hbm4b:s5+s0], $0x80, s30, s0, $0xb8;
	[tilespmem:$0x1E880] =	vst v63  }
0x90: {  	s13 =	simm.s32 $0x1E780;
	s3 =	sadd.s32 s14, s22  }
0x91: {  	[tilespmem:s13], [sflag:$0x7] =	stream.indirect.gather [hbm4b:s6+s0], $0x1, s23, s0, $0xb8;
	[tilespmem:$0x1E880] =	vst v63  }
0x92: {  	s8 =	sadd.s32 $0x1E, s3  }
0x93: {  	[tilespmem:s17], [sflag:$0x4] =	stream.linear.gather [hbm4b:s8+s4], $0x50, $0x38;
	[tilespmem:$0x1E880] =	vst v63  }
0x94: {  	s4 =	rddreg [dreg:$0x13]  }
0x95: {  	s15 =	sadd.s32 s14, s4  }
0x96: {  	s8 =	simm.s32 $0x0;
	s7 =	sadd.s32 $0x1E, s15  }
0x97: {  	[tilespmem:s31], [sflag:$0x4] =	stream.linear.gather [hbm4b:s7+s8], $0x50, $0x38;
	[tilespmem:$0x1E880] =	vst v63  }
0x98: {  	s7 =	simm.s32 $0x6  }
0x99: {  	_ =	swait.ge [sflag:s7], $0x2800  }
0x9a: {  	[sflag:s7] =	ssyncset.done $0x0  }
0x9b: {  	[sflag:s7] =	ssyncadd.s32 $0xFFFFD800  }
0x9c: {  	_ =	swait.ge [sflag:s7], $0x50  }
0x9d: {  	[sflag:s7] =	ssyncset.done $0x0  }
0x9e: {  	[sflag:s7] =	ssyncadd.s32 $0xFFFFFFB0  }
0x9f: {  	[spmem:s2] =	stream.indirect.scatter.add.f32 [tilespmem:s12], [sflag:$0xA], $0x80, s29, s0, $0xb8;
	[tilespmem:$0x1E880] =	vst v63  }
0xa0: {  	_ = 	snop  }
0xa1: {  	[spmem:s1] =	stream.indirect.scatter.add.f32 [tilespmem:s18], [sflag:$0xA], $0x1, s10, s0, $0xb8;
	[tilespmem:$0x1E880] =	vst v63  }
0xa2: {  	_ =	swait.ge [sflag:s19], $0x2800  }
0xa3: {  	[sflag:s19] =	ssyncset.done $0x0  }
0xa4: {  	[sflag:s19] =	ssyncadd.s32 $0xFFFFD800  }
0xa5: {  	_ =	swait.ge [sflag:s19], $0x50  }
0xa6: {  	[sflag:s19] =	ssyncset.done $0x0  }
0xa7: {  	[sflag:s19] =	ssyncadd.s32 $0xFFFFFFB0  }
0xa8: {  	_ =	swait.ge [sflag:s20], $0x50  }
0xa9: {  	[sflag:s20] =	ssyncset.done $0x0  }
0xaa: {  	[sflag:s20] =	ssyncadd.s32 $0xFFFFFFB0  }
0xab: {  	_ =	swait.ge [sflag:s20], $0x50  }
0xac: {  	[sflag:s20] =	ssyncset.done $0x0  }
0xad: {  	s18 =	simm.s32 $0x1BE80;
	[sflag:s20] =	ssyncadd.s32 $0xFFFFFFB0  }
0xae: {  	[tilespmem:s18], [sflag:$0x8] =	stream.indirect.gather [hbm4b:s5+s0], $0x80, s17, s0, $0xb8;
	[tilespmem:$0x1E880] =	vst v63  }
0xaf: {  	s12 =	simm.s32 $0x1E800  }
0xb0: {  	[tilespmem:s12], [sflag:$0x8] =	stream.indirect.gather [hbm4b:s6+s0], $0x1, s31, s0, $0xb8;
	[tilespmem:$0x1E880] =	vst v63  }
0xb1: {  	s10 =	sadd.s32 $0x28, s3  }
0xb2: {  	[tilespmem:s24], [sflag:$0x1] =	stream.linear.gather [hbm4b:s10+s8], $0x50, $0x38;
	[tilespmem:$0x1E880] =	vst v63  }
0xb3: {  	s10 =	sadd.s32 $0x28, s15  }
0xb4: {  	[tilespmem:s25], [sflag:$0x1] =	stream.linear.gather [hbm4b:s10+s8], $0x50, $0x38;
	[tilespmem:$0x1E880] =	vst v63  }
0xb5: {  	_ =	swait.ge [sflag:s26], $0x2800  }
0xb6: {  	[sflag:s26] =	ssyncset.done $0x0  }
0xb7: {  	[sflag:s26] =	ssyncadd.s32 $0xFFFFD800  }
0xb8: {  	_ =	swait.ge [sflag:s26], $0x50  }
0xb9: {  	[sflag:s26] =	ssyncset.done $0x0  }
0xba: {  	[sflag:s26] =	ssyncadd.s32 $0xFFFFFFB0  }
0xbb: {  	[spmem:s2] =	stream.indirect.scatter.add.f32 [tilespmem:s21], [sflag:$0xB], $0x80, s23, s0, $0xb8;
	[tilespmem:$0x1E880] =	vst v63  }
0xbc: {  	_ = 	snop  }
0xbd: {  	[spmem:s1] =	stream.indirect.scatter.add.f32 [tilespmem:s13], [sflag:$0xB], $0x1, s30, s0, $0xb8;
	[tilespmem:$0x1E880] =	vst v63  }
0xbe: {  	_ =	swait.ge [sflag:s28], $0x2800  }
0xbf: {  	[sflag:s28] =	ssyncset.done $0x0  }
0xc0: {  	[sflag:s28] =	ssyncadd.s32 $0xFFFFD800  }
0xc1: {  	_ =	swait.ge [sflag:s28], $0x50  }
0xc2: {  	[sflag:s28] =	ssyncset.done $0x0  }
0xc3: {  	s13 =	simm.s32 $0x1;
	[sflag:s28] =	ssyncadd.s32 $0xFFFFFFB0  }
0xc4: {  	_ =	swait.ge [sflag:s13], $0x50  }
0xc5: {  	[sflag:s13] =	ssyncset.done $0x0  }
0xc6: {  	[sflag:s13] =	ssyncadd.s32 $0xFFFFFFB0  }
0xc7: {  	_ =	swait.ge [sflag:s13], $0x50  }
0xc8: {  	[sflag:s13] =	ssyncset.done $0x0  }
0xc9: {  	p0 =	seq.s32 s14, $0x4B0;
	[sflag:s13] =	ssyncadd.s32 $0xFFFFFFB0  }
0xca: {  	[tilespmem:s16], [sflag:$0x5] =	stream.indirect.gather [hbm4b:s5+s0], $0x80, s24, s0, $0xb8;
	[tilespmem:$0x1E880] =	vst v63  }
0xcb: {  	s7 =	sadd.s32 @!p0 s14, s22;
	s24 =	simm.s32 $0x1E680  }
0xcc: {  	[tilespmem:s24], [sflag:$0x5] =	stream.indirect.gather [hbm4b:s6+s0], $0x1, s25, s0, $0xb8;
	[tilespmem:$0x1E880] =	vst v63  }
0xcd: {  	s7 =	sadd.s32 @!p0 $0x32, s7;
	s10 =	simm.s32 @!p0 $0x0;
	s23 =	simm.s32 @!p0 $0x14300  }
0xce: {  	[tilespmem:s23], [sflag:$0x2] =	stream.linear.gather @!p0 [hbm4b:s7+s10], $0x50, $0x38;
	[tilespmem:$0x1E880] =	vst v63  }
0xcf: {  	s7 =	sadd.s32 @!p0 s14, s4  }
0xd0: {  	s23 =	simm.s32 @!p0 $0x14500;
	s7 =	sadd.s32 @!p0 $0x32, s7  }
0xd1: {  	[tilespmem:s23], [sflag:$0x2] =	stream.linear.gather @!p0 [hbm4b:s7+s10], $0x50, $0x38;
	[tilespmem:$0x1E880] =	vst v63  }
0xd2: {  	_ =	swait.ge [sflag:s9], $0x2800  }
0xd3: {  	[sflag:s9] =	ssyncset.done $0x0  }
0xd4: {  	[sflag:s9] =	ssyncadd.s32 $0xFFFFD800  }
0xd5: {  	_ =	swait.ge [sflag:s9], $0x50  }
0xd6: {  	[sflag:s9] =	ssyncset.done $0x0  }
0xd7: {  	[sflag:s9] =	ssyncadd.s32 $0xFFFFFFB0  }
0xd8: {  	[spmem:s2] =	stream.indirect.scatter.add.f32 [tilespmem:s18], [sflag:$0xC], $0x80, s31, s0, $0xb8;
	[tilespmem:$0x1E880] =	vst v63  }
0xd9: {  	_ = 	snop  }
0xda: {  	[spmem:s1] =	stream.indirect.scatter.add.f32 [tilespmem:s12], [sflag:$0xC], $0x1, s17, s0, $0xb8;
	[tilespmem:$0x1E880] =	vst v63  }
0xdb: {  	_ =	swait.ge [sflag:s11], $0x2800  }
.Ltmp2:
0xdc: {  	[sflag:s11] =	ssyncset.done $0x0;
	(pc) =	sbr.rel @p0 .LBB2_4-.Ltmp2, $4  }
0xdd: {  	[sflag:s11] =	ssyncadd.s32 $0xFFFFD800  }
0xde: {  	_ =	swait.ge [sflag:s11], $0x50  }
0xdf: {  	s29 =	simm.s32 $0x14300;
	s30 =	simm.s32 $0x14500;
	[sflag:s11] =	ssyncset.done $0x0  }
0xe0: {  	s24 =	simm.s32 $0x14380;
	s25 =	simm.s32 $0x14580;
	[sflag:s11] =	ssyncadd.s32 $0xFFFFFFB0  }
0xe1: {  	s1 =	simm.s32 $0x2  }
0xe2: {  	_ =	swait.ge [sflag:s1], $0x50  }
0xe3: {  	[sflag:s1] =	ssyncset.done $0x0  }
0xe4: {  	[sflag:s1] =	ssyncadd.s32 $0xFFFFFFB0  }
0xe5: {  	_ =	swait.ge [sflag:s1], $0x50  }
0xe6: {  	[sflag:s1] =	ssyncset.done $0x0  }
0xe7: {  	s12 =	simm.s32 $0x16E80;
	s18 =	simm.s32 $0x1E700;
	[sflag:s1] =	ssyncadd.s32 $0xFFFFFFB0  }
0xe8: {  	[tilespmem:s12], [sflag:$0x6] =	stream.indirect.gather [hbm4b:s5+s0], $0x80, s29, s0, $0xb8;
	[tilespmem:$0x1E880] =	vst v63  }
0xe9: {  	s3 =	sadd.s32 $0x3C, s3;
	s14 =	sadd.s32 $0x28, s14;
	s10 =	simm.s32 $0x14300  }
0xea: {  	[tilespmem:s18], [sflag:$0x6] =	stream.indirect.gather [hbm4b:s6+s0], $0x1, s30, s0, $0xb8;
	[tilespmem:$0x1E880] =	vst v63  }
.Ltmp3:
0xeb: {  	s23 =	simm.s32 $0x14580;
	s4 =	simm.s32 $0x0;
	(pc) =	sbr.rel .LBB2_2-.Ltmp3, $4  }
0xec: {  	[tilespmem:s24], [sflag:$0x3] =	stream.linear.gather [hbm4b:s3+s8], $0x50, $0x38;
	[tilespmem:$0x1E880] =	vst v63  }
0xed: {  	s29 =	simm.s32 $0x14500;
	s30 =	simm.s32 $0x14380;
	s24 =	sadd.s32 $0x3C, s15  }
0xee: {  	[tilespmem:s25], [sflag:$0x3] =	stream.linear.gather [hbm4b:s24+s8], $0x50, $0x38;
	[tilespmem:$0x1E880] =	vst v63  }
0xef: {  	s15 =	simm.s32 $0x1E680;
	s24 =	simm.s32 $0x14280;
	s25 =	simm.s32 $0x14480  }
.LBB2_5:
0xf0: {  	_ =	sfence.sel $0x180000  }
0xf1: {  	[bflag:$0x0] =	sbarrier.arrive $0xFFFF  }
0xf2: {  	_ =	strace $0x9000004A  }
0xf3: {  	s0 =	stileid.u32;
	[bflag:$0x2] =	sbarrier.arrive $0xFFFF  }
0xf4: {  	p0 =	sne.s32 s0, $0x0;
	s0 =	rddreg [dreg:$0x3]  }
0xf5: {  	s0 =	sadd.s32 @!p0 $0x100000, s0  }
0xf6: {  	[sflag:s0] =	ssyncadd.tile.s32 @!p0 $0x1;
	_ =	shalt  }
.Lfunc_end2:
_tile_overlayer_lowered:
.L_overlay_start_2:
0xf7: {  	(tag) =	ssettag $0x2  }
0xf8: {  	s0 =	rddreg [dreg:$0x0];
	s2 =	stileid.u32  }
0xf9: {  	s1 =	rddreg [dreg:$0x1];
	p0 =	sne.s32 s2, $0x0  }
0xfa: {  	s3 =	rddreg [dreg:$0x2];
	[bflag:$0x3] =	sbarrier.arrive $0xFFFF;
	s2 =	simm.s32 @!p0 $0x1C0D  }
0xfb: {  	[timem:s3], [sflag:s2] =	dma.local @!p0 [hbm:s0], s1  }
0xfc: {  	s0 =	simm.s32 @!p0 $0xD  }
0xfd: {  	_ =	swait.ge @!p0 [sflag:s0], s1  }
0xfe: {  	s1 =	ssub.s32 @!p0 $0x0, s1;
	[sflag:s0] =	ssyncset.done @!p0 $0x0  }
0xff: {  	[sflag:s0] =	ssyncadd.s32 @!p0 s1  }
0x100: {  	[bflag:$0x3] =	sbarrier.arrive $0xFFFF  }
0x101: {  	_ =	shalt  }

</sc_bundles>
